<compile_context>
chip_gen: v7x
topology: tpu7x:2x2x1
jax: 0.10.2.dev20260603
libtpu: 0.0.44.dev20260713+nightly
codegen_flags: <defaults>
</compile_context>

<pallas_src>
import functools

import jax
import jax.numpy as jnp
from jax import lax
from jax.experimental import pallas as pl
from jax.experimental.pallas import tpu as pltpu
from jax.experimental.pallas import tpu_sc as plsc

N_NODES = 100000
NODE_DIM = 128
HIDDEN_DIM = 128
NUM_SEGMENTS = 512

_LOG2 = 0.6931471805599453


_NC = 2
_NS = 16
_NW = _NC * _NS
_L = 16
_CHUNK = -(-N_NODES // (_NW * _L)) * _L
_N_PAD = _CHUNK * _NW
_VECS = _CHUNK // _L
_CHUNK_LAST = N_NODES - (_NW - 1) * _CHUNK
_VECS_LAST = _CHUNK_LAST // _L


_ROWS_PER_TILE = 6272
_N_TILES = _N_PAD // _ROWS_PER_TILE


def _mlp_body(x_ref, w1_ref, b1_ref, w2_ref, o_ref):
    i = pl.program_id(0)
    h = jnp.dot(x_ref[...], w1_ref[...], preferred_element_type=jnp.float32)
    h = h + b1_ref[...]
    t = h * 1.4426950408889634
    s = jnp.maximum(t, 0.0) + jnp.log2(1.0 + jnp.exp2(-jnp.abs(t)))
    w2s = w2_ref[...] * _LOG2
    o = lax.dot_general(w2s, s, (((1,), (1,)), ((), ())),
                        preferred_element_type=jnp.float32)
    o = o - jnp.sum(w2s)
    node = lax.broadcasted_iota(jnp.int32, (1, _ROWS_PER_TILE), 1)
    node = node + i * _ROWS_PER_TILE
    o_ref[...] = jnp.where(node < N_NODES, o, 0.0)


def _mlp_scalars(x, W1, b1, W2):
    b1r = b1.reshape(1, HIDDEN_DIM)
    out = pl.pallas_call(
        _mlp_body,
        grid=(_N_TILES,),
        in_specs=[
            pl.BlockSpec((_ROWS_PER_TILE, NODE_DIM), lambda i: (i, 0)),
            pl.BlockSpec((NODE_DIM, HIDDEN_DIM), lambda i: (0, 0)),
            pl.BlockSpec((1, HIDDEN_DIM), lambda i: (0, 0)),
            pl.BlockSpec((1, HIDDEN_DIM), lambda i: (0, 0)),
        ],
        out_specs=pl.BlockSpec((1, _ROWS_PER_TILE), lambda i: (0, i)),
        out_shape=jax.ShapeDtypeStruct((1, _N_PAD), jnp.float32),
    )(x, W1, b1r, W2.reshape(1, HIDDEN_DIM))
    return out.reshape(_N_PAD)




def _seg_body(val_hbm, idx_hbm, out_hbm, val_v, idx_v, acc_v, red_v, all_v,
              shared):
    cid = lax.axis_index("c")
    sid = lax.axis_index("s")
    wid = sid * _NC + cid
    base = wid * _CHUNK
    is_last = wid == _NW - 1

    pltpu.sync_copy(val_hbm.at[pl.ds(base, _CHUNK)], val_v)
    @pl.when(jnp.logical_not(is_last))
    def _full_idx():
        pltpu.sync_copy(idx_hbm.at[pl.ds(base, _CHUNK)], idx_v)

    @pl.when(is_last)
    def _tail_idx():
        pltpu.sync_copy(idx_hbm.at[pl.ds(base, _CHUNK_LAST)],
                        idx_v.at[pl.ds(0, _CHUNK_LAST)])

    zeros = jnp.zeros((_L,), jnp.float32)

    def _zero(i, c):
        for k in range(16):
            acc_v[pl.ds(i * (16 * _L) + k * _L, _L)] = zeros
        return c

    lax.fori_loop(0, (_L * NUM_SEGMENTS) // (16 * _L), _zero, 0)

    lane_off = lax.iota(jnp.int32, _L) * NUM_SEGMENTS

    def _scatter_one(vec):
        off = vec * _L
        v = val_v[pl.ds(off, _L)]
        ix = idx_v[pl.ds(off, _L)] + lane_off
        plsc.addupdate_scatter(acc_v, [ix], v)

    def _scatter(i, c):
        for k in range(4):
            _scatter_one(i * 4 + k)
        return c

    n4 = jnp.where(is_last, _VECS_LAST // 4, _VECS // 4)
    lax.fori_loop(0, n4, _scatter, 0)

    @pl.when(is_last)
    def _scatter_tail():
        for vec in range((_VECS_LAST // 4) * 4, _VECS_LAST):
            _scatter_one(vec)

    def _tree_sum(vs):
        while len(vs) > 1:
            vs = [vs[j] + vs[j + 1] for j in range(0, len(vs), 2)]
        return vs[0]

    def _reduce(cb, c):
        col = cb * _L
        red_v[pl.ds(col, _L)] = _tree_sum(
            [acc_v[pl.ds(r * NUM_SEGMENTS + col, _L)] for r in range(_L)])
        return c

    lax.fori_loop(0, NUM_SEGMENTS // _L, _reduce, 0)

    pltpu.sync_copy(red_v, shared.at[pl.ds(sid * NUM_SEGMENTS, NUM_SEGMENTS)])
    plsc.subcore_barrier()

    @pl.when(sid == 0)
    def _combine():
        pltpu.sync_copy(shared, all_v)

        def _comb(cb, c):
            col = cb * _L
            red_v[pl.ds(col, _L)] = _tree_sum(
                [all_v[pl.ds(r * NUM_SEGMENTS + col, _L)] for r in range(_NS)])
            return c

        lax.fori_loop(0, NUM_SEGMENTS // _L, _comb, 0)
        pltpu.sync_copy(red_v, out_hbm.at[cid])


@functools.lru_cache(maxsize=1)
def _build_segment_sum_sc():
    return pl.kernel(
        _seg_body,
        out_type=jax.ShapeDtypeStruct((_NC, NUM_SEGMENTS), jnp.float32),
        mesh=plsc.VectorSubcoreMesh(core_axis_name="c", subcore_axis_name="s"),
        compiler_params=pltpu.CompilerParams(needs_layout_passes=False),
        scratch_types=[
            pltpu.VMEM((_CHUNK,), jnp.float32),
            pltpu.VMEM((_CHUNK,), jnp.int32),
            pltpu.VMEM((_L * NUM_SEGMENTS,), jnp.float32),
            pltpu.VMEM((NUM_SEGMENTS,), jnp.float32),
            pltpu.VMEM((_NS * NUM_SEGMENTS,), jnp.float32),
            pltpu.VMEM_SHARED((_NS * NUM_SEGMENTS,), jnp.float32),
        ],
    )




def kernel(x, batch, W1, b1, W2):
    scal = _mlp_scalars(x, W1, b1, W2)
    idx = batch.astype(jnp.int32)
    partials = _build_segment_sum_sc()(scal, idx)
    return (partials[0] + partials[1]).reshape(NUM_SEGMENTS, 1)

# --- scband reference (transcript-rebuilt; emitter-appended) ---
"""Pipeline reference for scband-node2-prop2-62517543960831 (READ-ONLY COPY).

The authoritative reference and input builder live on the scoring server;
editing this copy changes nothing except your own understanding.
"""

import jax, jax.numpy as jnp
import numpy as np

N_NODES = 100000
NODE_DIM = 128
HIDDEN_DIM = 128
OUT_DIM = 1
NUM_SEGMENTS = 512


def _xavier(key, shape):
    fan_in, fan_out = shape[0], shape[1]
    limit = jnp.sqrt(6.0 / (fan_in + fan_out))
    return jax.random.uniform(key, shape, minval=-limit, maxval=limit, dtype=jnp.float32)


def setup_inputs(seed: int = 0) -> dict:
    key = jax.random.key(seed)
    k1, k2, k3, k4 = jax.random.split(key, 4)
    x = jax.random.normal(k1, (N_NODES, NODE_DIM), dtype=jnp.float32)
    batch = jnp.sort(jax.random.randint(k2, (N_NODES,), 0, NUM_SEGMENTS)).astype(jnp.int64)
    W1 = _xavier(k3, (NODE_DIM, HIDDEN_DIM))
    b1 = jnp.zeros((HIDDEN_DIM,), dtype=jnp.float32)
    W2 = _xavier(k4, (HIDDEN_DIM, OUT_DIM))
    return {"x": x, "batch": batch, "W1": W1, "b1": b1, "W2": W2}


def shifted_softplus(t):
    return jax.nn.softplus(t) - jnp.log(2.0)


def reference(x, batch, W1, b1, W2):
    # Dense(node_dim -> hidden_dim, bias=True)
    h = x @ W1 + b1
    # ShiftedSoftplus activation
    h = shifted_softplus(h)
    # Dense(hidden_dim -> out_dim, bias=False)
    out = h @ W2
    # scatter(out, index=batch, dim=0, reduce='add')
    return jax.ops.segment_sum(out, batch, num_segments=NUM_SEGMENTS)

if __name__ == "__main__":
    import jax
    _d = setup_inputs()
    print(jax.jit(kernel)(*tuple(_d.values())))

</pallas_src>

<mosaic_0001>
#map = affine_map<(d0, d1) -> (0)>
#map1 = affine_map<(d0, d1) -> (0, 0)>
module attributes {stable_mosaic.version = 14 : i64} {
  func.func @_seg_body(%arg0: i32, %arg1: i32, %arg2: memref<100352xf32, #tpu.memory_space<hbm>>, %arg3: memref<100000xi32, #tpu.memory_space<hbm>>, %arg4: memref<2x512xf32, #tpu.memory_space<hbm>>, %arg5: memref<3136xf32, #tpu.memory_space<vmem>>, %arg6: memref<3136xi32, #tpu.memory_space<vmem>>, %arg7: memref<8192xf32, #tpu.memory_space<vmem>>, %arg8: memref<512xf32, #tpu.memory_space<vmem>>, %arg9: memref<8192xf32, #tpu.memory_space<vmem>>, %arg10: memref<8192xf32, #tpu.memory_space<vmem_shared>>) attributes {dimension_semantics = [#tpu.dimension_semantics<core_parallel>, #tpu.dimension_semantics<subcore_parallel>], iteration_bounds = array<i64: 2, 16>, scalar_prefetch = 0 : i64, scratch_operands = 6 : i64, tpu.core_type = #tpu.core_type<sc_vector_subcore>, window_params = [{transform_indices = #map}, {transform_indices = #map}, {transform_indices = #map1}]} {
    %mul3A = arith.constant 2 : i32
    %mul3A_0 = arith.muli %arg1, %mul3A : i32
    %add3A = arith.addi %mul3A_0, %arg0 : i32
    %mul3A_1 = arith.constant 3136 : i32
    %mul3A_2 = arith.muli %add3A, %mul3A_1 : i32
    %eq3A = arith.constant 31 : i32
    %eq3A_3 = arith.cmpi eq, %add3A, %eq3A : i32
    "tpu.region"() ({
      %run_scoped3A = tpu.sem_alloc : memref<!tpu.dma_semaphore, #tpu.memory_space<semaphore_mem>>
      %dma_start3A = tpu.memref_slice %arg2[%mul3A_2] : memref<100352xf32, #tpu.memory_space<hbm>> -> memref<3136xf32, #tpu.memory_space<hbm>>
      %dma_start3A_44 = tpu.memref_slice %arg2[%mul3A_2] : memref<100352xf32, #tpu.memory_space<hbm>> -> memref<3136xf32, #tpu.memory_space<hbm>>
      tpu.enqueue_dma source(%dma_start3A_44 : memref<3136xf32, #tpu.memory_space<hbm>>) target(%arg5 : memref<3136xf32, #tpu.memory_space<vmem>>) target_semaphore(%run_scoped3A : memref<!tpu.dma_semaphore, #tpu.memory_space<semaphore_mem>>)
      %dma_wait3A = tpu.memref_slice %arg2[%mul3A_2] : memref<100352xf32, #tpu.memory_space<hbm>> -> memref<3136xf32, #tpu.memory_space<hbm>>
      %dma_wait3A_45 = tpu.memref_slice %arg2[%mul3A_2] : memref<100352xf32, #tpu.memory_space<hbm>> -> memref<3136xf32, #tpu.memory_space<hbm>>
      tpu.wait_dma2 semaphore(%run_scoped3A : memref<!tpu.dma_semaphore, #tpu.memory_space<semaphore_mem>>) src(%dma_wait3A_45 : memref<3136xf32, #tpu.memory_space<hbm>>) dst(%arg5 : memref<3136xf32, #tpu.memory_space<vmem>>)
      tpu.yield
    }) : () -> ()
    %not3A = arith.constant true
    %not3A_4 = arith.xori %eq3A_3, %not3A : i1
    %convert_element_type3A = arith.extui %not3A_4 : i1 to i32
    %cond3A = arith.constant 0 : i32
    %cond3A_5 = arith.cmpi ne, %convert_element_type3A, %cond3A : i32
    scf.if %cond3A_5 {
      "tpu.region"() ({
        %run_scoped3A = tpu.sem_alloc : memref<!tpu.dma_semaphore, #tpu.memory_space<semaphore_mem>>
        %dma_start3A = tpu.memref_slice %arg3[%mul3A_2] : memref<100000xi32, #tpu.memory_space<hbm>> -> memref<3136xi32, #tpu.memory_space<hbm>>
        %dma_start3A_44 = tpu.memref_slice %arg3[%mul3A_2] : memref<100000xi32, #tpu.memory_space<hbm>> -> memref<3136xi32, #tpu.memory_space<hbm>>
        tpu.enqueue_dma source(%dma_start3A_44 : memref<3136xi32, #tpu.memory_space<hbm>>) target(%arg6 : memref<3136xi32, #tpu.memory_space<vmem>>) target_semaphore(%run_scoped3A : memref<!tpu.dma_semaphore, #tpu.memory_space<semaphore_mem>>)
        %dma_wait3A = tpu.memref_slice %arg3[%mul3A_2] : memref<100000xi32, #tpu.memory_space<hbm>> -> memref<3136xi32, #tpu.memory_space<hbm>>
        %dma_wait3A_45 = tpu.memref_slice %arg3[%mul3A_2] : memref<100000xi32, #tpu.memory_space<hbm>> -> memref<3136xi32, #tpu.memory_space<hbm>>
        tpu.wait_dma2 semaphore(%run_scoped3A : memref<!tpu.dma_semaphore, #tpu.memory_space<semaphore_mem>>) src(%dma_wait3A_45 : memref<3136xi32, #tpu.memory_space<hbm>>) dst(%arg6 : memref<3136xi32, #tpu.memory_space<vmem>>)
        tpu.yield
      }) : () -> ()
    } else {
    }
    %convert_element_type3A_6 = arith.extui %eq3A_3 : i1 to i32
    %cond3A_7 = arith.constant 0 : i32
    %cond3A_8 = arith.cmpi ne, %convert_element_type3A_6, %cond3A_7 : i32
    scf.if %cond3A_8 {
      "tpu.region"() ({
        %run_scoped3A = tpu.sem_alloc : memref<!tpu.dma_semaphore, #tpu.memory_space<semaphore_mem>>
        %dma_start3A = arith.constant 0 : i32
        %dma_start3A_44 = tpu.memref_slice %arg6[%dma_start3A] : memref<3136xi32, #tpu.memory_space<vmem>> -> memref<2784xi32, #tpu.memory_space<vmem>>
        %dma_start3A_45 = tpu.memref_slice %arg3[%mul3A_2] : memref<100000xi32, #tpu.memory_space<hbm>> -> memref<2784xi32, #tpu.memory_space<hbm>>
        %dma_start3A_46 = arith.constant 0 : i32
        %dma_start3A_47 = tpu.memref_slice %arg6[%dma_start3A_46] : memref<3136xi32, #tpu.memory_space<vmem>> -> memref<2784xi32, #tpu.memory_space<vmem>>
        %dma_start3A_48 = tpu.memref_slice %arg3[%mul3A_2] : memref<100000xi32, #tpu.memory_space<hbm>> -> memref<2784xi32, #tpu.memory_space<hbm>>
        tpu.enqueue_dma source(%dma_start3A_48 : memref<2784xi32, #tpu.memory_space<hbm>>) target(%dma_start3A_47 : memref<2784xi32, #tpu.memory_space<vmem>>) target_semaphore(%run_scoped3A : memref<!tpu.dma_semaphore, #tpu.memory_space<semaphore_mem>>)
        %dma_wait3A = arith.constant 0 : i32
        %dma_wait3A_49 = tpu.memref_slice %arg6[%dma_wait3A] : memref<3136xi32, #tpu.memory_space<vmem>> -> memref<2784xi32, #tpu.memory_space<vmem>>
        %dma_wait3A_50 = tpu.memref_slice %arg3[%mul3A_2] : memref<100000xi32, #tpu.memory_space<hbm>> -> memref<2784xi32, #tpu.memory_space<hbm>>
        %dma_wait3A_51 = arith.constant 0 : i32
        %dma_wait3A_52 = tpu.memref_slice %arg6[%dma_wait3A_51] : memref<3136xi32, #tpu.memory_space<vmem>> -> memref<2784xi32, #tpu.memory_space<vmem>>
        %dma_wait3A_53 = tpu.memref_slice %arg3[%mul3A_2] : memref<100000xi32, #tpu.memory_space<hbm>> -> memref<2784xi32, #tpu.memory_space<hbm>>
        tpu.wait_dma2 semaphore(%run_scoped3A : memref<!tpu.dma_semaphore, #tpu.memory_space<semaphore_mem>>) src(%dma_wait3A_53 : memref<2784xi32, #tpu.memory_space<hbm>>) dst(%dma_wait3A_52 : memref<2784xi32, #tpu.memory_space<vmem>>)
        tpu.yield
      }) : () -> ()
    } else {
    }
    %broadcast_in_dim3A = arith.constant 0.000000e+00 : f32
    %broadcast_in_dim3A_9 = vector.broadcast %broadcast_in_dim3A : f32 to vector<16xf32>
    %scan3A = arith.constant 0 : i32
    %scan3A_10 = arith.constant 0 : i32
    %scan3A_11 = arith.constant 32 : i32
    %scan3A_12 = arith.addi %scan3A_10, %scan3A_11 : i32
    %scan3A_13 = arith.constant 1 : i32
    scf.for %scan3A_44 = %scan3A_10 to %scan3A_12 step %scan3A_13  : i32 {
      %mul3A_45 = arith.constant 256 : i32
      %mul3A_46 = arith.muli %scan3A_44, %mul3A_45 : i32
      %add3A_47 = arith.constant 0 : i32
      %add3A_48 = arith.addi %mul3A_46, %add3A_47 : i32
      %swap3A = arith.index_cast %add3A_48 : i32 to index
      %swap3A_49 = tpu.vector_load %arg7[%swap3A] {strides = array<i32>} : memref<8192xf32, #tpu.memory_space<vmem>>, vector<16xf32>,
      tpu.vector_store %arg7[%swap3A], %broadcast_in_dim3A_9 {strides = array<i32>} : memref<8192xf32, #tpu.memory_space<vmem>>, vector<16xf32>,
      %mul3A_50 = arith.constant 256 : i32
      %mul3A_51 = arith.muli %scan3A_44, %mul3A_50 : i32
      %add3A_52 = arith.constant 16 : i32
      %add3A_53 = arith.addi %mul3A_51, %add3A_52 : i32
      %swap3A_54 = arith.index_cast %add3A_53 : i32 to index
      %swap3A_55 = tpu.vector_load %arg7[%swap3A_54] {strides = array<i32>} : memref<8192xf32, #tpu.memory_space<vmem>>, vector<16xf32>,
      tpu.vector_store %arg7[%swap3A_54], %broadcast_in_dim3A_9 {strides = array<i32>} : memref<8192xf32, #tpu.memory_space<vmem>>, vector<16xf32>,
      %mul3A_56 = arith.constant 256 : i32
      %mul3A_57 = arith.muli %scan3A_44, %mul3A_56 : i32
      %add3A_58 = arith.constant 32 : i32
      %add3A_59 = arith.addi %mul3A_57, %add3A_58 : i32
      %swap3A_60 = arith.index_cast %add3A_59 : i32 to index
      %swap3A_61 = tpu.vector_load %arg7[%swap3A_60] {strides = array<i32>} : memref<8192xf32, #tpu.memory_space<vmem>>, vector<16xf32>,
      tpu.vector_store %arg7[%swap3A_60], %broadcast_in_dim3A_9 {strides = array<i32>} : memref<8192xf32, #tpu.memory_space<vmem>>, vector<16xf32>,
      %mul3A_62 = arith.constant 256 : i32
      %mul3A_63 = arith.muli %scan3A_44, %mul3A_62 : i32
      %add3A_64 = arith.constant 48 : i32
      %add3A_65 = arith.addi %mul3A_63, %add3A_64 : i32
      %swap3A_66 = arith.index_cast %add3A_65 : i32 to index
      %swap3A_67 = tpu.vector_load %arg7[%swap3A_66] {strides = array<i32>} : memref<8192xf32, #tpu.memory_space<vmem>>, vector<16xf32>,
      tpu.vector_store %arg7[%swap3A_66], %broadcast_in_dim3A_9 {strides = array<i32>} : memref<8192xf32, #tpu.memory_space<vmem>>, vector<16xf32>,
      %mul3A_68 = arith.constant 256 : i32
      %mul3A_69 = arith.muli %scan3A_44, %mul3A_68 : i32
      %add3A_70 = arith.constant 64 : i32
      %add3A_71 = arith.addi %mul3A_69, %add3A_70 : i32
      %swap3A_72 = arith.index_cast %add3A_71 : i32 to index
      %swap3A_73 = tpu.vector_load %arg7[%swap3A_72] {strides = array<i32>} : memref<8192xf32, #tpu.memory_space<vmem>>, vector<16xf32>,
      tpu.vector_store %arg7[%swap3A_72], %broadcast_in_dim3A_9 {strides = array<i32>} : memref<8192xf32, #tpu.memory_space<vmem>>, vector<16xf32>,
      %mul3A_74 = arith.constant 256 : i32
      %mul3A_75 = arith.muli %scan3A_44, %mul3A_74 : i32
      %add3A_76 = arith.constant 80 : i32
      %add3A_77 = arith.addi %mul3A_75, %add3A_76 : i32
      %swap3A_78 = arith.index_cast %add3A_77 : i32 to index
      %swap3A_79 = tpu.vector_load %arg7[%swap3A_78] {strides = array<i32>} : memref<8192xf32, #tpu.memory_space<vmem>>, vector<16xf32>,
      tpu.vector_store %arg7[%swap3A_78], %broadcast_in_dim3A_9 {strides = array<i32>} : memref<8192xf32, #tpu.memory_space<vmem>>, vector<16xf32>,
      %mul3A_80 = arith.constant 256 : i32
      %mul3A_81 = arith.muli %scan3A_44, %mul3A_80 : i32
      %add3A_82 = arith.constant 96 : i32
      %add3A_83 = arith.addi %mul3A_81, %add3A_82 : i32
      %swap3A_84 = arith.index_cast %add3A_83 : i32 to index
      %swap3A_85 = tpu.vector_load %arg7[%swap3A_84] {strides = array<i32>} : memref<8192xf32, #tpu.memory_space<vmem>>, vector<16xf32>,
      tpu.vector_store %arg7[%swap3A_84], %broadcast_in_dim3A_9 {strides = array<i32>} : memref<8192xf32, #tpu.memory_space<vmem>>, vector<16xf32>,
      %mul3A_86 = arith.constant 256 : i32
      %mul3A_87 = arith.muli %scan3A_44, %mul3A_86 : i32
      %add3A_88 = arith.constant 112 : i32
      %add3A_89 = arith.addi %mul3A_87, %add3A_88 : i32
      %swap3A_90 = arith.index_cast %add3A_89 : i32 to index
      %swap3A_91 = tpu.vector_load %arg7[%swap3A_90] {strides = array<i32>} : memref<8192xf32, #tpu.memory_space<vmem>>, vector<16xf32>,
      tpu.vector_store %arg7[%swap3A_90], %broadcast_in_dim3A_9 {strides = array<i32>} : memref<8192xf32, #tpu.memory_space<vmem>>, vector<16xf32>,
      %mul3A_92 = arith.constant 256 : i32
      %mul3A_93 = arith.muli %scan3A_44, %mul3A_92 : i32
      %add3A_94 = arith.constant 128 : i32
      %add3A_95 = arith.addi %mul3A_93, %add3A_94 : i32
      %swap3A_96 = arith.index_cast %add3A_95 : i32 to index
      %swap3A_97 = tpu.vector_load %arg7[%swap3A_96] {strides = array<i32>} : memref<8192xf32, #tpu.memory_space<vmem>>, vector<16xf32>,
      tpu.vector_store %arg7[%swap3A_96], %broadcast_in_dim3A_9 {strides = array<i32>} : memref<8192xf32, #tpu.memory_space<vmem>>, vector<16xf32>,
      %mul3A_98 = arith.constant 256 : i32
      %mul3A_99 = arith.muli %scan3A_44, %mul3A_98 : i32
      %add3A_100 = arith.constant 144 : i32
      %add3A_101 = arith.addi %mul3A_99, %add3A_100 : i32
      %swap3A_102 = arith.index_cast %add3A_101 : i32 to index
      %swap3A_103 = tpu.vector_load %arg7[%swap3A_102] {strides = array<i32>} : memref<8192xf32, #tpu.memory_space<vmem>>, vector<16xf32>,
      tpu.vector_store %arg7[%swap3A_102], %broadcast_in_dim3A_9 {strides = array<i32>} : memref<8192xf32, #tpu.memory_space<vmem>>, vector<16xf32>,
      %mul3A_104 = arith.constant 256 : i32
      %mul3A_105 = arith.muli %scan3A_44, %mul3A_104 : i32
      %add3A_106 = arith.constant 160 : i32
      %add3A_107 = arith.addi %mul3A_105, %add3A_106 : i32
      %swap3A_108 = arith.index_cast %add3A_107 : i32 to index
      %swap3A_109 = tpu.vector_load %arg7[%swap3A_108] {strides = array<i32>} : memref<8192xf32, #tpu.memory_space<vmem>>, vector<16xf32>,
      tpu.vector_store %arg7[%swap3A_108], %broadcast_in_dim3A_9 {strides = array<i32>} : memref<8192xf32, #tpu.memory_space<vmem>>, vector<16xf32>,
      %mul3A_110 = arith.constant 256 : i32
      %mul3A_111 = arith.muli %scan3A_44, %mul3A_110 : i32
      %add3A_112 = arith.constant 176 : i32
      %add3A_113 = arith.addi %mul3A_111, %add3A_112 : i32
      %swap3A_114 = arith.index_cast %add3A_113 : i32 to index
      %swap3A_115 = tpu.vector_load %arg7[%swap3A_114] {strides = array<i32>} : memref<8192xf32, #tpu.memory_space<vmem>>, vector<16xf32>,
      tpu.vector_store %arg7[%swap3A_114], %broadcast_in_dim3A_9 {strides = array<i32>} : memref<8192xf32, #tpu.memory_space<vmem>>, vector<16xf32>,
      %mul3A_116 = arith.constant 256 : i32
      %mul3A_117 = arith.muli %scan3A_44, %mul3A_116 : i32
      %add3A_118 = arith.constant 192 : i32
      %add3A_119 = arith.addi %mul3A_117, %add3A_118 : i32
      %swap3A_120 = arith.index_cast %add3A_119 : i32 to index
      %swap3A_121 = tpu.vector_load %arg7[%swap3A_120] {strides = array<i32>} : memref<8192xf32, #tpu.memory_space<vmem>>, vector<16xf32>,
      tpu.vector_store %arg7[%swap3A_120], %broadcast_in_dim3A_9 {strides = array<i32>} : memref<8192xf32, #tpu.memory_space<vmem>>, vector<16xf32>,
      %mul3A_122 = arith.constant 256 : i32
      %mul3A_123 = arith.muli %scan3A_44, %mul3A_122 : i32
      %add3A_124 = arith.constant 208 : i32
      %add3A_125 = arith.addi %mul3A_123, %add3A_124 : i32
      %swap3A_126 = arith.index_cast %add3A_125 : i32 to index
      %swap3A_127 = tpu.vector_load %arg7[%swap3A_126] {strides = array<i32>} : memref<8192xf32, #tpu.memory_space<vmem>>, vector<16xf32>,
      tpu.vector_store %arg7[%swap3A_126], %broadcast_in_dim3A_9 {strides = array<i32>} : memref<8192xf32, #tpu.memory_space<vmem>>, vector<16xf32>,
      %mul3A_128 = arith.constant 256 : i32
      %mul3A_129 = arith.muli %scan3A_44, %mul3A_128 : i32
      %add3A_130 = arith.constant 224 : i32
      %add3A_131 = arith.addi %mul3A_129, %add3A_130 : i32
      %swap3A_132 = arith.index_cast %add3A_131 : i32 to index
      %swap3A_133 = tpu.vector_load %arg7[%swap3A_132] {strides = array<i32>} : memref<8192xf32, #tpu.memory_space<vmem>>, vector<16xf32>,
      tpu.vector_store %arg7[%swap3A_132], %broadcast_in_dim3A_9 {strides = array<i32>} : memref<8192xf32, #tpu.memory_space<vmem>>, vector<16xf32>,
      %mul3A_134 = arith.constant 256 : i32
      %mul3A_135 = arith.muli %scan3A_44, %mul3A_134 : i32
      %add3A_136 = arith.constant 240 : i32
      %add3A_137 = arith.addi %mul3A_135, %add3A_136 : i32
      %swap3A_138 = arith.index_cast %add3A_137 : i32 to index
      %swap3A_139 = tpu.vector_load %arg7[%swap3A_138] {strides = array<i32>} : memref<8192xf32, #tpu.memory_space<vmem>>, vector<16xf32>,
      tpu.vector_store %arg7[%swap3A_138], %broadcast_in_dim3A_9 {strides = array<i32>} : memref<8192xf32, #tpu.memory_space<vmem>>, vector<16xf32>,
    }
    %scan3A_14 = arith.constant 32 : i32
    %iota3A = tpu.iota {dimensions = array<i32: 0>} : vector<16xi32>
    %mul3A_15 = arith.constant 512 : i32
    %mul3A_16 = vector.broadcast %mul3A_15 : i32 to vector<16xi32>
    %mul3A_17 = arith.muli %iota3A, %mul3A_16 : vector<16xi32>
    %jit3A = arith.constant 43 : i32
    %jit3A_18 = arith.constant 49 : i32
    %select_n3A = arith.select %eq3A_3, %jit3A, %jit3A_18 : i32
    %while3A = arith.constant 0 : i32
    %while3A_19 = arith.constant 0 : i32
    %while3A_20 = arith.subi %select_n3A, %while3A_19 : i32
    %while3A_21 = arith.addi %while3A_19, %while3A_20 : i32
    %while3A_22 = arith.constant 1 : i32
    %while3A_23 = arith.divsi %while3A_20, %while3A_22 : i32
    %while3A_24 = arith.muli %while3A_23, %while3A_22 : i32
    %while3A_25 = arith.addi %while3A_19, %while3A_24 : i32
    %while3A_26 = arith.constant 1 : i32
    scf.for %while3A_44 = %while3A_19 to %while3A_25 step %while3A_26  : i32 {
      %mul3A_45 = arith.constant 4 : i32
      %mul3A_46 = arith.muli %while3A_44, %mul3A_45 : i32
      %add3A_47 = arith.constant 0 : i32
      %add3A_48 = arith.addi %mul3A_46, %add3A_47 : i32
      %mul3A_49 = arith.constant 16 : i32
      %mul3A_50 = arith.muli %add3A_48, %mul3A_49 : i32
      %get3A = arith.index_cast %mul3A_50 : i32 to index
      %get3A_51 = tpu.vector_load %arg5[%get3A] {strides = array<i32>} : memref<3136xf32, #tpu.memory_space<vmem>>, vector<16xf32>,
      %get3A_52 = arith.index_cast %mul3A_50 : i32 to index
      %get3A_53 = tpu.vector_load %arg6[%get3A_52] {strides = array<i32>} : memref<3136xi32, #tpu.memory_space<vmem>>, vector<16xi32>,
      %add3A_54 = arith.addi %get3A_53, %mul3A_17 : vector<16xi32>
      tpu.vector_store_idx %arg7[%add3A_54], %get3A_51 {add = true} : memref<8192xf32, #tpu.memory_space<vmem>>[vector<16xi32>], vector<16xf32>,
      %mul3A_55 = arith.constant 4 : i32
      %mul3A_56 = arith.muli %while3A_44, %mul3A_55 : i32
      %add3A_57 = arith.constant 1 : i32
      %add3A_58 = arith.addi %mul3A_56, %add3A_57 : i32
      %mul3A_59 = arith.constant 16 : i32
      %mul3A_60 = arith.muli %add3A_58, %mul3A_59 : i32
      %get3A_61 = arith.index_cast %mul3A_60 : i32 to index
      %get3A_62 = tpu.vector_load %arg5[%get3A_61] {strides = array<i32>} : memref<3136xf32, #tpu.memory_space<vmem>>, vector<16xf32>,
      %get3A_63 = arith.index_cast %mul3A_60 : i32 to index
      %get3A_64 = tpu.vector_load %arg6[%get3A_63] {strides = array<i32>} : memref<3136xi32, #tpu.memory_space<vmem>>, vector<16xi32>,
      %add3A_65 = arith.addi %get3A_64, %mul3A_17 : vector<16xi32>
      tpu.vector_store_idx %arg7[%add3A_65], %get3A_62 {add = true} : memref<8192xf32, #tpu.memory_space<vmem>>[vector<16xi32>], vector<16xf32>,
      %mul3A_66 = arith.constant 4 : i32
      %mul3A_67 = arith.muli %while3A_44, %mul3A_66 : i32
      %add3A_68 = arith.constant 2 : i32
      %add3A_69 = arith.addi %mul3A_67, %add3A_68 : i32
      %mul3A_70 = arith.constant 16 : i32
      %mul3A_71 = arith.muli %add3A_69, %mul3A_70 : i32
      %get3A_72 = arith.index_cast %mul3A_71 : i32 to index
      %get3A_73 = tpu.vector_load %arg5[%get3A_72] {strides = array<i32>} : memref<3136xf32, #tpu.memory_space<vmem>>, vector<16xf32>,
      %get3A_74 = arith.index_cast %mul3A_71 : i32 to index
      %get3A_75 = tpu.vector_load %arg6[%get3A_74] {strides = array<i32>} : memref<3136xi32, #tpu.memory_space<vmem>>, vector<16xi32>,
      %add3A_76 = arith.addi %get3A_75, %mul3A_17 : vector<16xi32>
      tpu.vector_store_idx %arg7[%add3A_76], %get3A_73 {add = true} : memref<8192xf32, #tpu.memory_space<vmem>>[vector<16xi32>], vector<16xf32>,
      %mul3A_77 = arith.constant 4 : i32
      %mul3A_78 = arith.muli %while3A_44, %mul3A_77 : i32
      %add3A_79 = arith.constant 3 : i32
      %add3A_80 = arith.addi %mul3A_78, %add3A_79 : i32
      %mul3A_81 = arith.constant 16 : i32
      %mul3A_82 = arith.muli %add3A_80, %mul3A_81 : i32
      %get3A_83 = arith.index_cast %mul3A_82 : i32 to index
      %get3A_84 = tpu.vector_load %arg5[%get3A_83] {strides = array<i32>} : memref<3136xf32, #tpu.memory_space<vmem>>, vector<16xf32>,
      %get3A_85 = arith.index_cast %mul3A_82 : i32 to index
      %get3A_86 = tpu.vector_load %arg6[%get3A_85] {strides = array<i32>} : memref<3136xi32, #tpu.memory_space<vmem>>, vector<16xi32>,
      %add3A_87 = arith.addi %get3A_86, %mul3A_17 : vector<16xi32>
      tpu.vector_store_idx %arg7[%add3A_87], %get3A_84 {add = true} : memref<8192xf32, #tpu.memory_space<vmem>>[vector<16xi32>], vector<16xf32>,
    }
    %while3A_27 = arith.constant 1 : i32
    scf.for %while3A_44 = %while3A_25 to %while3A_21 step %while3A_27  : i32 {
      %mul3A_45 = arith.constant 4 : i32
      %mul3A_46 = arith.muli %while3A_44, %mul3A_45 : i32
      %add3A_47 = arith.constant 0 : i32
      %add3A_48 = arith.addi %mul3A_46, %add3A_47 : i32
      %mul3A_49 = arith.constant 16 : i32
      %mul3A_50 = arith.muli %add3A_48, %mul3A_49 : i32
      %get3A = arith.index_cast %mul3A_50 : i32 to index
      %get3A_51 = tpu.vector_load %arg5[%get3A] {strides = array<i32>} : memref<3136xf32, #tpu.memory_space<vmem>>, vector<16xf32>,
      %get3A_52 = arith.index_cast %mul3A_50 : i32 to index
      %get3A_53 = tpu.vector_load %arg6[%get3A_52] {strides = array<i32>} : memref<3136xi32, #tpu.memory_space<vmem>>, vector<16xi32>,
      %add3A_54 = arith.addi %get3A_53, %mul3A_17 : vector<16xi32>
      tpu.vector_store_idx %arg7[%add3A_54], %get3A_51 {add = true} : memref<8192xf32, #tpu.memory_space<vmem>>[vector<16xi32>], vector<16xf32>,
      %mul3A_55 = arith.constant 4 : i32
      %mul3A_56 = arith.muli %while3A_44, %mul3A_55 : i32
      %add3A_57 = arith.constant 1 : i32
      %add3A_58 = arith.addi %mul3A_56, %add3A_57 : i32
      %mul3A_59 = arith.constant 16 : i32
      %mul3A_60 = arith.muli %add3A_58, %mul3A_59 : i32
      %get3A_61 = arith.index_cast %mul3A_60 : i32 to index
      %get3A_62 = tpu.vector_load %arg5[%get3A_61] {strides = array<i32>} : memref<3136xf32, #tpu.memory_space<vmem>>, vector<16xf32>,
      %get3A_63 = arith.index_cast %mul3A_60 : i32 to index
      %get3A_64 = tpu.vector_load %arg6[%get3A_63] {strides = array<i32>} : memref<3136xi32, #tpu.memory_space<vmem>>, vector<16xi32>,
      %add3A_65 = arith.addi %get3A_64, %mul3A_17 : vector<16xi32>
      tpu.vector_store_idx %arg7[%add3A_65], %get3A_62 {add = true} : memref<8192xf32, #tpu.memory_space<vmem>>[vector<16xi32>], vector<16xf32>,
      %mul3A_66 = arith.constant 4 : i32
      %mul3A_67 = arith.muli %while3A_44, %mul3A_66 : i32
      %add3A_68 = arith.constant 2 : i32
      %add3A_69 = arith.addi %mul3A_67, %add3A_68 : i32
      %mul3A_70 = arith.constant 16 : i32
      %mul3A_71 = arith.muli %add3A_69, %mul3A_70 : i32
      %get3A_72 = arith.index_cast %mul3A_71 : i32 to index
      %get3A_73 = tpu.vector_load %arg5[%get3A_72] {strides = array<i32>} : memref<3136xf32, #tpu.memory_space<vmem>>, vector<16xf32>,
      %get3A_74 = arith.index_cast %mul3A_71 : i32 to index
      %get3A_75 = tpu.vector_load %arg6[%get3A_74] {strides = array<i32>} : memref<3136xi32, #tpu.memory_space<vmem>>, vector<16xi32>,
      %add3A_76 = arith.addi %get3A_75, %mul3A_17 : vector<16xi32>
      tpu.vector_store_idx %arg7[%add3A_76], %get3A_73 {add = true} : memref<8192xf32, #tpu.memory_space<vmem>>[vector<16xi32>], vector<16xf32>,
      %mul3A_77 = arith.constant 4 : i32
      %mul3A_78 = arith.muli %while3A_44, %mul3A_77 : i32
      %add3A_79 = arith.constant 3 : i32
      %add3A_80 = arith.addi %mul3A_78, %add3A_79 : i32
      %mul3A_81 = arith.constant 16 : i32
      %mul3A_82 = arith.muli %add3A_80, %mul3A_81 : i32
      %get3A_83 = arith.index_cast %mul3A_82 : i32 to index
      %get3A_84 = tpu.vector_load %arg5[%get3A_83] {strides = array<i32>} : memref<3136xf32, #tpu.memory_space<vmem>>, vector<16xf32>,
      %get3A_85 = arith.index_cast %mul3A_82 : i32 to index
      %get3A_86 = tpu.vector_load %arg6[%get3A_85] {strides = array<i32>} : memref<3136xi32, #tpu.memory_space<vmem>>, vector<16xi32>,
      %add3A_87 = arith.addi %get3A_86, %mul3A_17 : vector<16xi32>
      tpu.vector_store_idx %arg7[%add3A_87], %get3A_84 {add = true} : memref<8192xf32, #tpu.memory_space<vmem>>[vector<16xi32>], vector<16xf32>,
    }
    %convert_element_type3A_28 = arith.extui %eq3A_3 : i1 to i32
    %cond3A_29 = arith.constant 0 : i32
    %cond3A_30 = arith.cmpi ne, %convert_element_type3A_28, %cond3A_29 : i32
    scf.if %cond3A_30 {
      %get3A = arith.constant 2752 : index
      %get3A_44 = tpu.vector_load %arg5[%get3A] {strides = array<i32>} : memref<3136xf32, #tpu.memory_space<vmem>>, vector<16xf32>,
      %get3A_45 = arith.constant 2752 : index
      %get3A_46 = tpu.vector_load %arg6[%get3A_45] {strides = array<i32>} : memref<3136xi32, #tpu.memory_space<vmem>>, vector<16xi32>,
      %add3A_47 = arith.addi %get3A_46, %mul3A_17 : vector<16xi32>
      tpu.vector_store_idx %arg7[%add3A_47], %get3A_44 {add = true} : memref<8192xf32, #tpu.memory_space<vmem>>[vector<16xi32>], vector<16xf32>,
      %get3A_48 = arith.constant 2768 : index
      %get3A_49 = tpu.vector_load %arg5[%get3A_48] {strides = array<i32>} : memref<3136xf32, #tpu.memory_space<vmem>>, vector<16xf32>,
      %get3A_50 = arith.constant 2768 : index
      %get3A_51 = tpu.vector_load %arg6[%get3A_50] {strides = array<i32>} : memref<3136xi32, #tpu.memory_space<vmem>>, vector<16xi32>,
      %add3A_52 = arith.addi %get3A_51, %mul3A_17 : vector<16xi32>
      tpu.vector_store_idx %arg7[%add3A_52], %get3A_49 {add = true} : memref<8192xf32, #tpu.memory_space<vmem>>[vector<16xi32>], vector<16xf32>,
    } else {
    }
    %scan3A_31 = arith.constant 0 : i32
    %scan3A_32 = arith.constant 0 : i32
    %scan3A_33 = arith.constant 32 : i32
    %scan3A_34 = arith.addi %scan3A_32, %scan3A_33 : i32
    %scan3A_35 = arith.constant 1 : i32
    scf.for %scan3A_44 = %scan3A_32 to %scan3A_34 step %scan3A_35  : i32 {
      %mul3A_45 = arith.constant 16 : i32
      %mul3A_46 = arith.muli %scan3A_44, %mul3A_45 : i32
      %add3A_47 = arith.constant 0 : i32
      %add3A_48 = arith.addi %add3A_47, %mul3A_46 : i32
      %get3A = arith.index_cast %add3A_48 : i32 to index
      %get3A_49 = tpu.vector_load %arg7[%get3A] {strides = array<i32>} : memref<8192xf32, #tpu.memory_space<vmem>>, vector<16xf32>,
      %add3A_50 = arith.constant 512 : i32
      %add3A_51 = arith.addi %add3A_50, %mul3A_46 : i32
      %get3A_52 = arith.index_cast %add3A_51 : i32 to index
      %get3A_53 = tpu.vector_load %arg7[%get3A_52] {strides = array<i32>} : memref<8192xf32, #tpu.memory_space<vmem>>, vector<16xf32>,
      %add3A_54 = arith.constant 1024 : i32
      %add3A_55 = arith.addi %add3A_54, %mul3A_46 : i32
      %get3A_56 = arith.index_cast %add3A_55 : i32 to index
      %get3A_57 = tpu.vector_load %arg7[%get3A_56] {strides = array<i32>} : memref<8192xf32, #tpu.memory_space<vmem>>, vector<16xf32>,
      %add3A_58 = arith.constant 1536 : i32
      %add3A_59 = arith.addi %add3A_58, %mul3A_46 : i32
      %get3A_60 = arith.index_cast %add3A_59 : i32 to index
      %get3A_61 = tpu.vector_load %arg7[%get3A_60] {strides = array<i32>} : memref<8192xf32, #tpu.memory_space<vmem>>, vector<16xf32>,
      %add3A_62 = arith.constant 2048 : i32
      %add3A_63 = arith.addi %add3A_62, %mul3A_46 : i32
      %get3A_64 = arith.index_cast %add3A_63 : i32 to index
      %get3A_65 = tpu.vector_load %arg7[%get3A_64] {strides = array<i32>} : memref<8192xf32, #tpu.memory_space<vmem>>, vector<16xf32>,
      %add3A_66 = arith.constant 2560 : i32
      %add3A_67 = arith.addi %add3A_66, %mul3A_46 : i32
      %get3A_68 = arith.index_cast %add3A_67 : i32 to index
      %get3A_69 = tpu.vector_load %arg7[%get3A_68] {strides = array<i32>} : memref<8192xf32, #tpu.memory_space<vmem>>, vector<16xf32>,
      %add3A_70 = arith.constant 3072 : i32
      %add3A_71 = arith.addi %add3A_70, %mul3A_46 : i32
      %get3A_72 = arith.index_cast %add3A_71 : i32 to index
      %get3A_73 = tpu.vector_load %arg7[%get3A_72] {strides = array<i32>} : memref<8192xf32, #tpu.memory_space<vmem>>, vector<16xf32>,
      %add3A_74 = arith.constant 3584 : i32
      %add3A_75 = arith.addi %add3A_74, %mul3A_46 : i32
      %get3A_76 = arith.index_cast %add3A_75 : i32 to index
      %get3A_77 = tpu.vector_load %arg7[%get3A_76] {strides = array<i32>} : memref<8192xf32, #tpu.memory_space<vmem>>, vector<16xf32>,
      %add3A_78 = arith.constant 4096 : i32
      %add3A_79 = arith.addi %add3A_78, %mul3A_46 : i32
      %get3A_80 = arith.index_cast %add3A_79 : i32 to index
      %get3A_81 = tpu.vector_load %arg7[%get3A_80] {strides = array<i32>} : memref<8192xf32, #tpu.memory_space<vmem>>, vector<16xf32>,
      %add3A_82 = arith.constant 4608 : i32
      %add3A_83 = arith.addi %add3A_82, %mul3A_46 : i32
      %get3A_84 = arith.index_cast %add3A_83 : i32 to index
      %get3A_85 = tpu.vector_load %arg7[%get3A_84] {strides = array<i32>} : memref<8192xf32, #tpu.memory_space<vmem>>, vector<16xf32>,
      %add3A_86 = arith.constant 5120 : i32
      %add3A_87 = arith.addi %add3A_86, %mul3A_46 : i32
      %get3A_88 = arith.index_cast %add3A_87 : i32 to index
      %get3A_89 = tpu.vector_load %arg7[%get3A_88] {strides = array<i32>} : memref<8192xf32, #tpu.memory_space<vmem>>, vector<16xf32>,
      %add3A_90 = arith.constant 5632 : i32
      %add3A_91 = arith.addi %add3A_90, %mul3A_46 : i32
      %get3A_92 = arith.index_cast %add3A_91 : i32 to index
      %get3A_93 = tpu.vector_load %arg7[%get3A_92] {strides = array<i32>} : memref<8192xf32, #tpu.memory_space<vmem>>, vector<16xf32>,
      %add3A_94 = arith.constant 6144 : i32
      %add3A_95 = arith.addi %add3A_94, %mul3A_46 : i32
      %get3A_96 = arith.index_cast %add3A_95 : i32 to index
      %get3A_97 = tpu.vector_load %arg7[%get3A_96] {strides = array<i32>} : memref<8192xf32, #tpu.memory_space<vmem>>, vector<16xf32>,
      %add3A_98 = arith.constant 6656 : i32
      %add3A_99 = arith.addi %add3A_98, %mul3A_46 : i32
      %get3A_100 = arith.index_cast %add3A_99 : i32 to index
      %get3A_101 = tpu.vector_load %arg7[%get3A_100] {strides = array<i32>} : memref<8192xf32, #tpu.memory_space<vmem>>, vector<16xf32>,
      %add3A_102 = arith.constant 7168 : i32
      %add3A_103 = arith.addi %add3A_102, %mul3A_46 : i32
      %get3A_104 = arith.index_cast %add3A_103 : i32 to index
      %get3A_105 = tpu.vector_load %arg7[%get3A_104] {strides = array<i32>} : memref<8192xf32, #tpu.memory_space<vmem>>, vector<16xf32>,
      %add3A_106 = arith.constant 7680 : i32
      %add3A_107 = arith.addi %add3A_106, %mul3A_46 : i32
      %get3A_108 = arith.index_cast %add3A_107 : i32 to index
      %get3A_109 = tpu.vector_load %arg7[%get3A_108] {strides = array<i32>} : memref<8192xf32, #tpu.memory_space<vmem>>, vector<16xf32>,
      %add3A_110 = arith.addf %get3A_49, %get3A_53 : vector<16xf32>
      %add3A_111 = arith.addf %get3A_57, %get3A_61 : vector<16xf32>
      %add3A_112 = arith.addf %get3A_65, %get3A_69 : vector<16xf32>
      %add3A_113 = arith.addf %get3A_73, %get3A_77 : vector<16xf32>
      %add3A_114 = arith.addf %get3A_81, %get3A_85 : vector<16xf32>
      %add3A_115 = arith.addf %get3A_89, %get3A_93 : vector<16xf32>
      %add3A_116 = arith.addf %get3A_97, %get3A_101 : vector<16xf32>
      %add3A_117 = arith.addf %get3A_105, %get3A_109 : vector<16xf32>
      %add3A_118 = arith.addf %add3A_110, %add3A_111 : vector<16xf32>
      %add3A_119 = arith.addf %add3A_112, %add3A_113 : vector<16xf32>
      %add3A_120 = arith.addf %add3A_114, %add3A_115 : vector<16xf32>
      %add3A_121 = arith.addf %add3A_116, %add3A_117 : vector<16xf32>
      %add3A_122 = arith.addf %add3A_118, %add3A_119 : vector<16xf32>
      %add3A_123 = arith.addf %add3A_120, %add3A_121 : vector<16xf32>
      %add3A_124 = arith.addf %add3A_122, %add3A_123 : vector<16xf32>
      %swap3A = arith.index_cast %mul3A_46 : i32 to index
      %swap3A_125 = tpu.vector_load %arg8[%swap3A] {strides = array<i32>} : memref<512xf32, #tpu.memory_space<vmem>>, vector<16xf32>,
      tpu.vector_store %arg8[%swap3A], %add3A_124 {strides = array<i32>} : memref<512xf32, #tpu.memory_space<vmem>>, vector<16xf32>,
    }
    %scan3A_36 = arith.constant 32 : i32
    %mul3A_37 = arith.constant 512 : i32
    %mul3A_38 = arith.muli %arg1, %mul3A_37 : i32
    "tpu.region"() ({
      %run_scoped3A = tpu.sem_alloc : memref<!tpu.dma_semaphore, #tpu.memory_space<semaphore_mem>>
      %dma_start3A = tpu.memref_slice %arg10[%mul3A_38] : memref<8192xf32, #tpu.memory_space<vmem_shared>> -> memref<512xf32, #tpu.memory_space<vmem_shared>>
      %dma_start3A_44 = tpu.memref_slice %arg10[%mul3A_38] : memref<8192xf32, #tpu.memory_space<vmem_shared>> -> memref<512xf32, #tpu.memory_space<vmem_shared>>
      tpu.enqueue_dma source(%arg8 : memref<512xf32, #tpu.memory_space<vmem>>) target(%dma_start3A_44 : memref<512xf32, #tpu.memory_space<vmem_shared>>) target_semaphore(%run_scoped3A : memref<!tpu.dma_semaphore, #tpu.memory_space<semaphore_mem>>)
      %dma_wait3A = tpu.memref_slice %arg10[%mul3A_38] : memref<8192xf32, #tpu.memory_space<vmem_shared>> -> memref<512xf32, #tpu.memory_space<vmem_shared>>
      %dma_wait3A_45 = tpu.memref_slice %arg10[%mul3A_38] : memref<8192xf32, #tpu.memory_space<vmem_shared>> -> memref<512xf32, #tpu.memory_space<vmem_shared>>
      tpu.wait_dma2 semaphore(%run_scoped3A : memref<!tpu.dma_semaphore, #tpu.memory_space<semaphore_mem>>) src(%arg8 : memref<512xf32, #tpu.memory_space<vmem>>) dst(%dma_wait3A_45 : memref<512xf32, #tpu.memory_space<vmem_shared>>)
      tpu.yield
    }) : () -> ()
    %barrier3A = arith.constant 0 : index
    tpu.barrier barrier_id(%barrier3A)
    %eq3A_39 = arith.constant 0 : i32
    %eq3A_40 = arith.cmpi eq, %arg1, %eq3A_39 : i32
    %convert_element_type3A_41 = arith.extui %eq3A_40 : i1 to i32
    %cond3A_42 = arith.constant 0 : i32
    %cond3A_43 = arith.cmpi ne, %convert_element_type3A_41, %cond3A_42 : i32
    scf.if %cond3A_43 {
      "tpu.region"() ({
        %run_scoped3A = tpu.sem_alloc : memref<!tpu.dma_semaphore, #tpu.memory_space<semaphore_mem>>
        tpu.enqueue_dma source(%arg10 : memref<8192xf32, #tpu.memory_space<vmem_shared>>) target(%arg9 : memref<8192xf32, #tpu.memory_space<vmem>>) target_semaphore(%run_scoped3A : memref<!tpu.dma_semaphore, #tpu.memory_space<semaphore_mem>>)
        tpu.wait_dma2 semaphore(%run_scoped3A : memref<!tpu.dma_semaphore, #tpu.memory_space<semaphore_mem>>) src(%arg10 : memref<8192xf32, #tpu.memory_space<vmem_shared>>) dst(%arg9 : memref<8192xf32, #tpu.memory_space<vmem>>)
        tpu.yield
      }) : () -> ()
      %scan3A_44 = arith.constant 0 : i32
      %scan3A_45 = arith.constant 0 : i32
      %scan3A_46 = arith.constant 32 : i32
      %scan3A_47 = arith.addi %scan3A_45, %scan3A_46 : i32
      %scan3A_48 = arith.constant 1 : i32
      scf.for %scan3A_50 = %scan3A_45 to %scan3A_47 step %scan3A_48  : i32 {
        %mul3A_51 = arith.constant 16 : i32
        %mul3A_52 = arith.muli %scan3A_50, %mul3A_51 : i32
        %add3A_53 = arith.constant 0 : i32
        %add3A_54 = arith.addi %add3A_53, %mul3A_52 : i32
        %get3A = arith.index_cast %add3A_54 : i32 to index
        %get3A_55 = tpu.vector_load %arg9[%get3A] {strides = array<i32>} : memref<8192xf32, #tpu.memory_space<vmem>>, vector<16xf32>,
        %add3A_56 = arith.constant 512 : i32
        %add3A_57 = arith.addi %add3A_56, %mul3A_52 : i32
        %get3A_58 = arith.index_cast %add3A_57 : i32 to index
        %get3A_59 = tpu.vector_load %arg9[%get3A_58] {strides = array<i32>} : memref<8192xf32, #tpu.memory_space<vmem>>, vector<16xf32>,
        %add3A_60 = arith.constant 1024 : i32
        %add3A_61 = arith.addi %add3A_60, %mul3A_52 : i32
        %get3A_62 = arith.index_cast %add3A_61 : i32 to index
        %get3A_63 = tpu.vector_load %arg9[%get3A_62] {strides = array<i32>} : memref<8192xf32, #tpu.memory_space<vmem>>, vector<16xf32>,
        %add3A_64 = arith.constant 1536 : i32
        %add3A_65 = arith.addi %add3A_64, %mul3A_52 : i32
        %get3A_66 = arith.index_cast %add3A_65 : i32 to index
        %get3A_67 = tpu.vector_load %arg9[%get3A_66] {strides = array<i32>} : memref<8192xf32, #tpu.memory_space<vmem>>, vector<16xf32>,
        %add3A_68 = arith.constant 2048 : i32
        %add3A_69 = arith.addi %add3A_68, %mul3A_52 : i32
        %get3A_70 = arith.index_cast %add3A_69 : i32 to index
        %get3A_71 = tpu.vector_load %arg9[%get3A_70] {strides = array<i32>} : memref<8192xf32, #tpu.memory_space<vmem>>, vector<16xf32>,
        %add3A_72 = arith.constant 2560 : i32
        %add3A_73 = arith.addi %add3A_72, %mul3A_52 : i32
        %get3A_74 = arith.index_cast %add3A_73 : i32 to index
        %get3A_75 = tpu.vector_load %arg9[%get3A_74] {strides = array<i32>} : memref<8192xf32, #tpu.memory_space<vmem>>, vector<16xf32>,
        %add3A_76 = arith.constant 3072 : i32
        %add3A_77 = arith.addi %add3A_76, %mul3A_52 : i32
        %get3A_78 = arith.index_cast %add3A_77 : i32 to index
        %get3A_79 = tpu.vector_load %arg9[%get3A_78] {strides = array<i32>} : memref<8192xf32, #tpu.memory_space<vmem>>, vector<16xf32>,
        %add3A_80 = arith.constant 3584 : i32
        %add3A_81 = arith.addi %add3A_80, %mul3A_52 : i32
        %get3A_82 = arith.index_cast %add3A_81 : i32 to index
        %get3A_83 = tpu.vector_load %arg9[%get3A_82] {strides = array<i32>} : memref<8192xf32, #tpu.memory_space<vmem>>, vector<16xf32>,
        %add3A_84 = arith.constant 4096 : i32
        %add3A_85 = arith.addi %add3A_84, %mul3A_52 : i32
        %get3A_86 = arith.index_cast %add3A_85 : i32 to index
        %get3A_87 = tpu.vector_load %arg9[%get3A_86] {strides = array<i32>} : memref<8192xf32, #tpu.memory_space<vmem>>, vector<16xf32>,
        %add3A_88 = arith.constant 4608 : i32
        %add3A_89 = arith.addi %add3A_88, %mul3A_52 : i32
        %get3A_90 = arith.index_cast %add3A_89 : i32 to index
        %get3A_91 = tpu.vector_load %arg9[%get3A_90] {strides = array<i32>} : memref<8192xf32, #tpu.memory_space<vmem>>, vector<16xf32>,
        %add3A_92 = arith.constant 5120 : i32
        %add3A_93 = arith.addi %add3A_92, %mul3A_52 : i32
        %get3A_94 = arith.index_cast %add3A_93 : i32 to index
        %get3A_95 = tpu.vector_load %arg9[%get3A_94] {strides = array<i32>} : memref<8192xf32, #tpu.memory_space<vmem>>, vector<16xf32>,
        %add3A_96 = arith.constant 5632 : i32
        %add3A_97 = arith.addi %add3A_96, %mul3A_52 : i32
        %get3A_98 = arith.index_cast %add3A_97 : i32 to index
        %get3A_99 = tpu.vector_load %arg9[%get3A_98] {strides = array<i32>} : memref<8192xf32, #tpu.memory_space<vmem>>, vector<16xf32>,
        %add3A_100 = arith.constant 6144 : i32
        %add3A_101 = arith.addi %add3A_100, %mul3A_52 : i32
        %get3A_102 = arith.index_cast %add3A_101 : i32 to index
        %get3A_103 = tpu.vector_load %arg9[%get3A_102] {strides = array<i32>} : memref<8192xf32, #tpu.memory_space<vmem>>, vector<16xf32>,
        %add3A_104 = arith.constant 6656 : i32
        %add3A_105 = arith.addi %add3A_104, %mul3A_52 : i32
        %get3A_106 = arith.index_cast %add3A_105 : i32 to index
        %get3A_107 = tpu.vector_load %arg9[%get3A_106] {strides = array<i32>} : memref<8192xf32, #tpu.memory_space<vmem>>, vector<16xf32>,
        %add3A_108 = arith.constant 7168 : i32
        %add3A_109 = arith.addi %add3A_108, %mul3A_52 : i32
        %get3A_110 = arith.index_cast %add3A_109 : i32 to index
        %get3A_111 = tpu.vector_load %arg9[%get3A_110] {strides = array<i32>} : memref<8192xf32, #tpu.memory_space<vmem>>, vector<16xf32>,
        %add3A_112 = arith.constant 7680 : i32
        %add3A_113 = arith.addi %add3A_112, %mul3A_52 : i32
        %get3A_114 = arith.index_cast %add3A_113 : i32 to index
        %get3A_115 = tpu.vector_load %arg9[%get3A_114] {strides = array<i32>} : memref<8192xf32, #tpu.memory_space<vmem>>, vector<16xf32>,
        %add3A_116 = arith.addf %get3A_55, %get3A_59 : vector<16xf32>
        %add3A_117 = arith.addf %get3A_63, %get3A_67 : vector<16xf32>
        %add3A_118 = arith.addf %get3A_71, %get3A_75 : vector<16xf32>
        %add3A_119 = arith.addf %get3A_79, %get3A_83 : vector<16xf32>
        %add3A_120 = arith.addf %get3A_87, %get3A_91 : vector<16xf32>
        %add3A_121 = arith.addf %get3A_95, %get3A_99 : vector<16xf32>
        %add3A_122 = arith.addf %get3A_103, %get3A_107 : vector<16xf32>
        %add3A_123 = arith.addf %get3A_111, %get3A_115 : vector<16xf32>
        %add3A_124 = arith.addf %add3A_116, %add3A_117 : vector<16xf32>
        %add3A_125 = arith.addf %add3A_118, %add3A_119 : vector<16xf32>
        %add3A_126 = arith.addf %add3A_120, %add3A_121 : vector<16xf32>
        %add3A_127 = arith.addf %add3A_122, %add3A_123 : vector<16xf32>
        %add3A_128 = arith.addf %add3A_124, %add3A_125 : vector<16xf32>
        %add3A_129 = arith.addf %add3A_126, %add3A_127 : vector<16xf32>
        %add3A_130 = arith.addf %add3A_128, %add3A_129 : vector<16xf32>
        %swap3A = arith.index_cast %mul3A_52 : i32 to index
        %swap3A_131 = tpu.vector_load %arg8[%swap3A] {strides = array<i32>} : memref<512xf32, #tpu.memory_space<vmem>>, vector<16xf32>,
        tpu.vector_store %arg8[%swap3A], %add3A_130 {strides = array<i32>} : memref<512xf32, #tpu.memory_space<vmem>>, vector<16xf32>,
      }
      %scan3A_49 = arith.constant 32 : i32
      "tpu.region"() ({
        %run_scoped3A = tpu.sem_alloc : memref<!tpu.dma_semaphore, #tpu.memory_space<semaphore_mem>>
        %dma_start3A = arith.constant 0 : i32
        %dma_start3A_50 = tpu.memref_slice %arg4[%arg0, %dma_start3A] : memref<2x512xf32, #tpu.memory_space<hbm>> -> memref<1x512xf32, #tpu.memory_space<hbm>>
        %dma_start3A_51 = tpu.memref_squeeze %dma_start3A_50 : memref<1x512xf32, #tpu.memory_space<hbm>> -> memref<512xf32, #tpu.memory_space<hbm>>
        %dma_start3A_52 = arith.constant 0 : i32
        %dma_start3A_53 = tpu.memref_slice %arg4[%arg0, %dma_start3A_52] : memref<2x512xf32, #tpu.memory_space<hbm>> -> memref<1x512xf32, #tpu.memory_space<hbm>>
        %dma_start3A_54 = tpu.memref_squeeze %dma_start3A_53 : memref<1x512xf32, #tpu.memory_space<hbm>> -> memref<512xf32, #tpu.memory_space<hbm>>
        tpu.enqueue_dma source(%arg8 : memref<512xf32, #tpu.memory_space<vmem>>) target(%dma_start3A_54 : memref<512xf32, #tpu.memory_space<hbm>>) target_semaphore(%run_scoped3A : memref<!tpu.dma_semaphore, #tpu.memory_space<semaphore_mem>>)
        %dma_wait3A = arith.constant 0 : i32
        %dma_wait3A_55 = tpu.memref_slice %arg4[%arg0, %dma_wait3A] : memref<2x512xf32, #tpu.memory_space<hbm>> -> memref<1x512xf32, #tpu.memory_space<hbm>>
        %dma_wait3A_56 = tpu.memref_squeeze %dma_wait3A_55 : memref<1x512xf32, #tpu.memory_space<hbm>> -> memref<512xf32, #tpu.memory_space<hbm>>
        %dma_wait3A_57 = arith.constant 0 : i32
        %dma_wait3A_58 = tpu.memref_slice %arg4[%arg0, %dma_wait3A_57] : memref<2x512xf32, #tpu.memory_space<hbm>> -> memref<1x512xf32, #tpu.memory_space<hbm>>
        %dma_wait3A_59 = tpu.memref_squeeze %dma_wait3A_58 : memref<1x512xf32, #tpu.memory_space<hbm>> -> memref<512xf32, #tpu.memory_space<hbm>>
        tpu.wait_dma2 semaphore(%run_scoped3A : memref<!tpu.dma_semaphore, #tpu.memory_space<semaphore_mem>>) src(%arg8 : memref<512xf32, #tpu.memory_space<vmem>>) dst(%dma_wait3A_59 : memref<512xf32, #tpu.memory_space<hbm>>)
        tpu.yield
      }) : () -> ()
    } else {
    }
    return
  }
}

module attributes {stable_mosaic.version = 14 : i64} {
  func.func @_mlp_body(%arg0: i32, %arg1: memref<6272x128xf32, #tpu.memory_space<vmem>>, %arg2: memref<128x128xf32, #tpu.memory_space<vmem>>, %arg3: memref<1x128xf32, #tpu.memory_space<vmem>>, %arg4: memref<1x128xf32, #tpu.memory_space<vmem>>, %arg5: memref<1x6272xf32, #tpu.memory_space<vmem>>) attributes {dimension_semantics = [#tpu.dimension_semantics<arbitrary>], iteration_bounds = array<i64: 16>, scalar_prefetch = 0 : i64, scratch_operands = 0 : i64, tpu.core_type = #tpu.core_type<tc>, window_params = [{transform_indices = @transform_0, window_bounds = array<i64: 6272, 128>}, {pipeline_mode = #tpu.pipeline_mode<synchronous>, transform_indices = @transform_1, window_bounds = array<i64: 128, 128>}, {pipeline_mode = #tpu.pipeline_mode<synchronous>, transform_indices = @transform_2, window_bounds = array<i64: 1, 128>}, {pipeline_mode = #tpu.pipeline_mode<synchronous>, transform_indices = @transform_3, window_bounds = array<i64: 1, 128>}, {transform_indices = @transform_4, window_bounds = array<i64: 1, 6272>}]} {
    %get3A = arith.constant 0 : index
    %get3A_0 = arith.constant 0 : index
    %get3A_1 = vector.load %arg1[%get3A, %get3A_0] : memref<6272x128xf32, #tpu.memory_space<vmem>>, vector<6272x128xf32>
    %get3A_2 = arith.constant 0 : index
    %get3A_3 = arith.constant 0 : index
    %get3A_4 = vector.load %arg2[%get3A_2, %get3A_3] : memref<128x128xf32, #tpu.memory_space<vmem>>, vector<128x128xf32>
    %dot_general3A = arith.constant dense<0.000000e+00> : vector<6272x128xf32>
    %dot_general3A_5 = tpu.matmul %get3A_1, %get3A_4, %dot_general3A {dimension_numbers = #tpu.dot_dimension_numbers<[1], [0], [0], [1], [0, 0, 1, 1], [], []>, transpose_lhs_hint = false} : vector<6272x128xf32>, vector<128x128xf32>, vector<6272x128xf32> -> vector<6272x128xf32>
    %get3A_6 = arith.constant 0 : index
    %get3A_7 = arith.constant 0 : index
    %get3A_8 = vector.load %arg3[%get3A_6, %get3A_7] : memref<1x128xf32, #tpu.memory_space<vmem>>, vector<1x128xf32>
    %add3A = vector.broadcast %get3A_8 : vector<1x128xf32> to vector<6272x128xf32>
    %add3A_9 = arith.addf %dot_general3A_5, %add3A : vector<6272x128xf32>
    %mul3A = arith.constant 1.44269502 : f32
    %mul3A_10 = vector.broadcast %mul3A : f32 to vector<6272x128xf32>
    %mul3A_11 = arith.mulf %add3A_9, %mul3A_10 : vector<6272x128xf32>
    %max3A = arith.constant 0.000000e+00 : f32
    %max3A_12 = vector.broadcast %max3A : f32 to vector<6272x128xf32>
    %max3A_13 = arith.maximumf %mul3A_11, %max3A_12 : vector<6272x128xf32>
    %abs3A = math.absf %mul3A_11 : vector<6272x128xf32>
    %neg3A = arith.constant 0.000000e+00 : f32
    %neg3A_14 = vector.broadcast %neg3A : f32 to vector<6272x128xf32>
    %neg3A_15 = arith.subf %neg3A_14, %abs3A : vector<6272x128xf32>
    %exp23A = math.exp2 %neg3A_15 : vector<6272x128xf32>
    %add3A_16 = arith.constant 1.000000e+00 : f32
    %add3A_17 = vector.broadcast %add3A_16 : f32 to vector<6272x128xf32>
    %add3A_18 = arith.addf %add3A_17, %exp23A : vector<6272x128xf32>
    %log3A = math.log %add3A_18 : vector<6272x128xf32>
    %log3A_19 = arith.constant 2.000000e+00 : f32
    %log3A_20 = math.log %log3A_19 : f32
    %div3A = vector.broadcast %log3A_20 : f32 to vector<6272x128xf32>
    %div3A_21 = arith.divf %log3A, %div3A : vector<6272x128xf32>
    %add3A_22 = arith.addf %max3A_13, %div3A_21 : vector<6272x128xf32>
    %get3A_23 = arith.constant 0 : index
    %get3A_24 = arith.constant 0 : index
    %get3A_25 = vector.load %arg4[%get3A_23, %get3A_24] : memref<1x128xf32, #tpu.memory_space<vmem>>, vector<1x128xf32>
    %mul3A_26 = arith.constant 0.693147182 : f32
    %mul3A_27 = vector.broadcast %mul3A_26 : f32 to vector<1x128xf32>
    %mul3A_28 = arith.mulf %get3A_25, %mul3A_27 : vector<1x128xf32>
    %dot_general3A_29 = arith.constant dense<0.000000e+00> : vector<1x6272xf32>
    %dot_general3A_30 = tpu.matmul %mul3A_28, %add3A_22, %dot_general3A_29 {dimension_numbers = #tpu.dot_dimension_numbers<[1], [1], [0], [0], [0, 0, 1, 0], [], []>, transpose_lhs_hint = false} : vector<1x128xf32>, vector<6272x128xf32>, vector<1x6272xf32> -> vector<1x6272xf32>
    %reduce_sum3A = vector.shape_cast %mul3A_28 : vector<1x128xf32> to vector<1x1x128xf32>
    %reduce_sum3A_31 = arith.constant dense<0.000000e+00> : vector<1xf32>
    %reduce_sum3A_32 = vector.multi_reduction <add>, %reduce_sum3A, %reduce_sum3A_31 [1, 2] : vector<1x1x128xf32> to vector<1xf32>
    %reduce_sum3A_33 = vector.shape_cast %reduce_sum3A_32 : vector<1xf32> to vector<1x1x1xf32>
    %reduce_sum3A_34 = vector.extract %reduce_sum3A_33[0, 0, 0] : f32 from vector<1x1x1xf32>
    %sub3A = vector.broadcast %reduce_sum3A_34 : f32 to vector<1x6272xf32>
    %sub3A_35 = arith.subf %dot_general3A_30, %sub3A : vector<1x6272xf32>
    %iota3A = tpu.iota {dimensions = array<i32: 1>} : vector<1x6272xi32>
    %mul3A_36 = arith.constant 6272 : i32
    %mul3A_37 = arith.muli %arg0, %mul3A_36 : i32
    %add3A_38 = vector.broadcast %mul3A_37 : i32 to vector<1x6272xi32>
    %add3A_39 = arith.addi %iota3A, %add3A_38 : vector<1x6272xi32>
    %lt3A = arith.constant 100000 : i32
    %lt3A_40 = vector.broadcast %lt3A : i32 to vector<1x6272xi32>
    %lt3A_41 = arith.cmpi slt, %add3A_39, %lt3A_40 : vector<1x6272xi32>
    %jit3A = arith.constant 0.000000e+00 : f32
    %broadcast_in_dim3A = vector.broadcast %jit3A : f32 to vector<1x6272xf32>
    %select_n3A = arith.select %lt3A_41, %sub3A_35, %broadcast_in_dim3A : vector<1x6272xi1>, vector<1x6272xf32>
    %swap3A = arith.constant 0 : index
    %swap3A_42 = arith.constant 0 : index
    %swap3A_43 = vector.load %arg5[%swap3A, %swap3A_42] : memref<1x6272xf32, #tpu.memory_space<vmem>>, vector<1x6272xf32>
    tpu.vector_store %arg5[%swap3A, %swap3A_42], %select_n3A {strides = array<i32>} : memref<1x6272xf32, #tpu.memory_space<vmem>>, vector<1x6272xf32>,
    return
  }
  func.func @transform_0(%arg0: i32) -> (i32, i32) {
    %c0_i32 = arith.constant 0 : i32
    %c0_i32_0 = arith.constant 0 : i32
    return %arg0, %c0_i32 : i32, i32
  }
  func.func @transform_1(%arg0: i32) -> (i32, i32) {
    %c0_i32 = arith.constant 0 : i32
    %c0_i32_0 = arith.constant 0 : i32
    %c0_i32_1 = arith.constant 0 : i32
    return %c0_i32, %c0_i32_0 : i32, i32
  }
  func.func @transform_2(%arg0: i32) -> (i32, i32) {
    %c0_i32 = arith.constant 0 : i32
    %c0_i32_0 = arith.constant 0 : i32
    %c0_i32_1 = arith.constant 0 : i32
    return %c0_i32, %c0_i32_0 : i32, i32
  }
  func.func @transform_3(%arg0: i32) -> (i32, i32) {
    %c0_i32 = arith.constant 0 : i32
    %c0_i32_0 = arith.constant 0 : i32
    %c0_i32_1 = arith.constant 0 : i32
    return %c0_i32, %c0_i32_0 : i32, i32
  }
  func.func @transform_4(%arg0: i32) -> (i32, i32) {
    %c0_i32 = arith.constant 0 : i32
    %c0_i32_0 = arith.constant 0 : i32
    return %c0_i32, %arg0 : i32, i32
  }
}

</mosaic_0001>

<sc_bundles>
// kernel: kernel.4.cloned.1.call-start
scs
__scs_entry_jumppad:
0x0: {  	(pc) =	sbr.rel $0x88, $3  }
0x1: {  	(tag) =	ssettag $0x0;
	lr =	simm.s32 $0x1  }
0x2: {  	[smem:$0x3F9C] =	sst lr;
	_ =	strace $0xD0000000  }
0x3: {  	_ = 	snop  }
0x4: {  	_ = 	snop  }
0x5: {  	_ = 	snop  }
0x6: {  	_ = 	snop  }
0x7: {  	_ = 	snop  }
__scs_overlays_trampoline_lowered:
0x8: {  	[smem:$0x3FAB] =	sst s0  }
0x9: {  	[smem:$0x3FAC] =	sst s1  }
0xa: {  	[smem:$0x3FAD] =	sst s2  }
0xb: {  	[smem:$0x3FAE] =	sst s3  }
0xc: {  	[smem:$0x3FAF] =	sst s4  }
0xd: {  	[smem:$0x3FB0] =	sst s5  }
0xe: {  	[smem:$0x3FB1] =	sst s6  }
0xf: {  	[smem:$0x3FB2] =	sst s7  }
0x10: {  	[smem:$0x3FB3] =	sst s8  }
0x11: {  	[smem:$0x3FB4] =	sst s9;
	s0 =	simm.s32 @!p0 $0x0  }
0x12: {  	s1 =	sld [smem:$0x3F9A];
	s0 =	simm.s32 @p0 $0x1  }
0x13: {  	[smem:$0x3FB5] =	sst s0;
	s0 =	simm.s32 @!p1 $0x0  }
0x14: {  	s2 =	sld [smem:$0x3F99];
	s0 =	simm.s32 @p1 $0x1  }
0x15: {  	[smem:$0x3FB6] =	sst s0;
	s0 =	simm.s32 @!p2 $0x0  }
0x16: {  	s3 =	sld [smem:$0x3FDB];
	s0 =	simm.s32 @p2 $0x1  }
0x17: {  	s4 =	simm.s32 $0x1BF5;
	[smem:$0x3FB8] =	sst s0  }
0x18: {  	s0 =	sld [smem:$0x3F9B];
	_ =	swait.ge [sflag:s4], $0x0  }
0x19: {  	s7 =	sld [smem:$0x3F9C]  }
0x1a: {  	s8 =	sadd.s32 $0xFFFFE003, lr  }
0x1b: {  	s9 =	sadd.s32 $0xFFFFFEF7, lr;
	s5 =	simm.s32 $0xFFFFFFFF;
	p2 =	slt.u32 s8, $0xFFFFF086  }
0x1c: {  	p1 =	slt.u32 s9, $0xF7A;
	s5 =	simm.s32 @!p2 $0x0  }
0x1d: {  	s5 =	simm.s32 @p1 $0x1;
	p0 =	seq.s32 s7, s2  }
0x1e: {  	s7 =	smul.u32 @!p0 $0xF7A, s2;
	p2 =	seq.s32 @!p0 s5, $0x0  }
0x1f: {  	s9 =	smul.u32 $0xF7A, s1;
	s8 =	simm.s32 @!p0 $0x1BF5;
	p2 =	por !p2, p0  }
0x20: {  	[sflag:s8] =	ssyncset.s32 @!p0 $0xFFFFF086;
	s6 =	sadd.s32 @!p0 s3, s7;
	s7 =	simm.s32 @!p0 $0x108  }
0x21: {  	s3 =	sadd.s32 s3, s9;
	s6 =	sadd.s32 @!p0 $0x88, s6;
	s7 =	simm.s32 @p2 $0x1082  }
0x22: {  	[simem:s7], [sflag:s8] =	dma.local @!p0 [hbm:s6], $0xF7A  }
0x23: {  	s9 =	sor.u32 $0xD0000000, s2;
	s6 =	simm.s32 $0x108;
	_ =	swait.ge @!p0 [sflag:s8], $0x0  }
0x24: {  	s3 =	sadd.s32 $0x88, s3;
	s6 =	simm.s32 @!p1 $0x1082;
	[sflag:s4] =	ssyncset.s32 $0xFFFFF086  }
0x25: {  	[simem:s6], [sflag:s4] =	dma.local [hbm:s3], $0xF7A  }
0x26: {  	[smem:$0x3F9C] =	sst s1;
	(tag) =	ssettag s2;
	_ =	strace s9  }
0x27: {  	s1 =	sld [smem:$0x3FAC]  }
0x28: {  	s2 =	sld [smem:$0x3FAD]  }
0x29: {  	s4 =	sld [smem:$0x3FAF]  }
0x2a: {  	p0 =	seq.s32 s5, $0x0;
	s5 =	sld [smem:$0x3FB0]  }
0x2b: {  	s6 =	sld [smem:$0x3FB1]  }
0x2c: {  	s7 =	sld [smem:$0x3FB2]  }
0x2d: {  	s3 =	simm.s32 $0x108;
	s8 =	sld [smem:$0x3FB3]  }
0x2e: {  	s3 =	simm.s32 @!p0 $0x1082;
	s9 =	sld [smem:$0x3FB4]  }
0x2f: {  	lr =	sadd.s32 s0, s3;
	s0 =	sld [smem:$0x3FAB]  }
0x30: {  	s3 =	sld [smem:$0x3FAE]  }
0x31: {  	[smem:$0x3FB7] =	sst s10  }
0x32: {  	s10 =	sld [smem:$0x3FB5];
	_ =	sdelay $0x3  }
0x33: {  	p0 =	seq.s32 s10, $0x1;
	s10 =	sld [smem:$0x3FB7];
	_ =	sdelay $0x3  }
0x34: {  	[smem:$0x3FB7] =	sst s10  }
0x35: {  	s10 =	sld [smem:$0x3FB6];
	_ =	sdelay $0x3  }
0x36: {  	p1 =	seq.s32 s10, $0x1;
	s10 =	sld [smem:$0x3FB7];
	_ =	sdelay $0x3  }
0x37: {  	[smem:$0x3FB7] =	sst s10  }
0x38: {  	s10 =	sld [smem:$0x3FB8]  }
0x39: {  	_ = 	snop;
	(pc) =	sbr.ind lr, $3  }
0x3a: {  	_ = 	snop  }
0x3b: {  	_ = 	snop  }
0x3c: {  	p2 =	seq.s32 s10, $0x1;
	s10 =	sld [smem:$0x3FB7]  }
0x3d: {  	_ =	shalt  }
0x3e: {  	_ =	shalt  }
0x3f: {  	_ =	shalt  }
0x40: {  	_ =	shalt  }
0x41: {  	_ =	shalt  }
0x42: {  	_ =	shalt  }
0x43: {  	_ =	shalt  }
0x44: {  	_ =	shalt  }
0x45: {  	_ =	shalt  }
0x46: {  	_ =	shalt  }
0x47: {  	_ =	shalt  }
0x48: {  	_ =	shalt  }
0x49: {  	_ =	shalt  }
0x4a: {  	_ =	shalt  }
0x4b: {  	_ =	shalt  }
0x4c: {  	_ =	shalt  }
0x4d: {  	_ =	shalt  }
0x4e: {  	_ =	shalt  }
0x4f: {  	_ =	shalt  }
0x50: {  	_ =	shalt  }
0x51: {  	_ =	shalt  }
0x52: {  	_ =	shalt  }
0x53: {  	_ =	shalt  }
0x54: {  	_ =	shalt  }
0x55: {  	_ =	shalt  }
0x56: {  	_ =	shalt  }
0x57: {  	_ =	shalt  }
0x58: {  	_ =	shalt  }
0x59: {  	_ =	shalt  }
0x5a: {  	_ =	shalt  }
0x5b: {  	_ =	shalt  }
0x5c: {  	_ =	shalt  }
0x5d: {  	_ =	shalt  }
0x5e: {  	_ =	shalt  }
0x5f: {  	_ =	shalt  }
0x60: {  	_ =	shalt  }
0x61: {  	_ =	shalt  }
0x62: {  	_ =	shalt  }
0x63: {  	_ =	shalt  }
0x64: {  	_ =	shalt  }
0x65: {  	_ =	shalt  }
0x66: {  	_ =	shalt  }
0x67: {  	_ =	shalt  }
0x68: {  	_ =	shalt  }
0x69: {  	_ =	shalt  }
0x6a: {  	_ =	shalt  }
0x6b: {  	_ =	shalt  }
0x6c: {  	_ =	shalt  }
0x6d: {  	_ =	shalt  }
0x6e: {  	_ =	shalt  }
0x6f: {  	_ =	shalt  }
0x70: {  	_ =	shalt  }
0x71: {  	_ =	shalt  }
0x72: {  	_ =	shalt  }
0x73: {  	_ =	shalt  }
0x74: {  	_ =	shalt  }
0x75: {  	_ =	shalt  }
0x76: {  	_ =	shalt  }
0x77: {  	_ =	shalt  }
0x78: {  	_ =	shalt  }
0x79: {  	_ =	shalt  }
0x7a: {  	_ =	shalt  }
0x7b: {  	_ =	shalt  }
0x7c: {  	_ =	shalt  }
0x7d: {  	_ =	shalt  }
0x7e: {  	_ =	shalt  }
0x7f: {  	_ =	shalt  }
0x80: {  	_ =	shalt  }
0x81: {  	_ =	shalt  }
0x82: {  	_ =	shalt  }
0x83: {  	_ =	shalt  }
0x84: {  	_ =	shalt  }
0x85: {  	_ =	shalt  }
0x86: {  	_ =	shalt  }
0x87: {  	_ =	shalt  }
.Lfunc_end0:
.L_simem_size_0:
called_computation_lowered:
.L_overlay_start_0:
0x88: {  	s2 =	sld [smem:$0x3FD9]  }
0x89: {  	s3 =	sld [smem:$0x3FFE];
	_ =	sdelay $0x1  }
0x8a: {  	s1 =	srdreg.scid  }
0x8b: {  	s0 =	sand.u32 $0x1, s1  }
0x8c: {  	s17 =	sshll.u32 s0, $0xA;
	s2 =	sadd.s32 s3, s2  }
0x8d: {  	s2 =	sadd.s32 s2, s17  }
0x8e: {  	[smem:$0x3FC3] =	sst s2  }
0x8f: {  	_ = 	snop  }
0x90: {  	s2 =	sld [smem:$0x3FC8];
	(tm) =	ssettm $0x1  }
0x91: {  	s18 =	sld [smem:$0x3FFB];
	_ =	sdelay $0x3  }
0x92: {  	_ =	strace s18  }
0x93: {  	s3 =	sld [smem:$0x3FFC];
	_ =	sdelay $0x3  }
0x94: {  	_ =	strace s3  }
0x95: {  	s3 =	sld [smem:$0x3FFD];
	_ =	sdelay $0x3  }
0x96: {  	_ =	strace s3  }
0x97: {  	_ =	strace $0x8FFFFFFF  }
0x98: {  	s19 =	sld [smem:$0x3FDB];
	_ =	sdelay $0x1  }
0x99: {  	s4 =	simm.s32 $_scs_section_size  }
0x9a: {  	s5 =	simm.s32 $_size__tile_overlayer_lowered;
	s6 =	simm.s32 $_tile_overlayer_lowered  }
0x9b: {  	s22 =	simm.s32 $0x1BFF;
	s21 =	sshll.u32 s6, $0x1;
	s3 =	sadd.s32 s4, s19  }
0x9c: {  	s7 =	simm.s32 $0x0;
	s20 =	sshll.u32 s5, $0x1;
	s5 =	sadd.s32 s21, s3  }
0x9d: {  	[timem:s7], [sflag:s22] =	dma.local [hbm:s5], s20  }
0x9e: {  	_ =	swait.ge [sflag:s22], s20  }
0x9f: {  	s4 =	ssub.s32 $0x0, s20;
	[sflag:s22] =	ssyncset.done $0x0  }
0xa0: {  	[sflag:s22] =	ssyncadd.s32 s4;
	_ =	sdelay $0x1  }
0xa1: {  	s23 =	simm.s32 $0x1B8B  }
0xa2: {  	_ =	swait.ge [sflag:s23], $0x1  }
0xa3: {  	[sflag:s23] =	ssyncset.done $0x0  }
0xa4: {  	s25 =	simm.s32 $0x1B8E;
	s24 =	sld [smem:$0x3FFE];
	[sflag:s23] =	ssyncadd.s32 $0xFFFFFFFF  }
0xa5: {  	s26 =	simm.s32 $execute0_lowered;
	[smem:$0x3FD2] =	sst s25  }
0xa6: {  	s5 =	sshll.u32 s26, $0x1;
	_ =	strace $0x80000046;
	[dreg:$0x1] =	wrdreg $0xFFFFFFFF  }
0xa7: {  	s28 =	simm.s32 $_size_execute0_lowered;
	s3 =	sadd.s32 s3, s5;
	[dreg:$0x0] =	wrdreg $0x0  }
0xa8: {  	s5 =	sshll.u32 s28, $0x1;
	[dreg:$0x2] =	wrdreg s3  }
0xa9: {  	[dreg:$0x3] =	wrdreg s5  }
0xaa: {  	[dreg:$0x4] =	wrdreg $0xC0  }
0xab: {  	_ =	task [dreg:s7], $0x5FFFF  }
0xac: {  	[dreg:$0x1] =	wrdreg $0xFFFFFFFF  }
0xad: {  	[dreg:$0x0] =	wrdreg $0x60  }
0xae: {  	[dreg:$0x2] =	wrdreg s24  }
0xaf: {  	[dreg:$0x3] =	wrdreg s2  }
0xb0: {  	[dreg:$0x4] =	wrdreg $0x5B000  }
0xb1: {  	[dreg:$0x5] =	wrdreg $0x9  }
0xb2: {  	_ =	task.clear_ibuf [dreg:s7], $0x6FFFF;
	_ =	strace $0x90000046  }
0xb3: {  	s29 =	simm.s32 $0x9;
	_ =	strace $0x80000048  }
0xb4: {  	_ =	swait.ge [sflag:s29], $0x1  }
0xb5: {  	[sflag:s29] =	ssyncadd.s32 $0xFFFFFFFF  }
0xb6: {  	_ =	strace $0x90000048  }
0xb7: {  	_ =	sfence  }
0xb8: {  	s30 =	sld [smem:$0x0];
	_ =	sdelay $0x2  }
0xb9: {  	s31 =	sshll.u32 s1, $0xD;
	s1 =	sshrl.u32 s1, $0x2  }
0xba: {  	s3 =	sand.u32 $0x4000, s31;
	s1 =	sadd.s32 s1, s30  }
0xbb: {  	s0 =	sor.u32 s3, s0;
	s1 =	sshll.u32 s1, $0x11  }
0xbc: {  	s0 =	sor.u32 s1, s0  }
0xbd: {  	s0 =	sadd.s32 $0x8F2B, s0  }
0xbe: {  	[sflag:s0] =	ssyncadd.remote.s32 $0x1  }
0xbf: {  	_ =	sfence.sel $0xFFFF  }
0xc0: {  	[dreg:$0x0] =	wrdreg $0xFFFFFFFF;
	(pc) =	sbr.abs _section_cstart, $3  }
0xc1: {  	[dreg:$0x1] =	wrdreg $0xFFFFFFFF  }
0xc2: {  	_ =	task.clear_ibuf [dreg:s7], $0x2FFFF;
	_ =	strace $0x9FFFFFFF  }
0xc3: {  	(tm) =	ssettm $0x7FFFFFFF  }
tec
execute0_lowered:
.L_overlay_start_1:
0x0: {  	(tag) =	ssettag $0x1  }
0x1: {  	s3 =	rddreg [dreg:$0x0]  }
0x2: {  	s4 =	rddreg [dreg:$0x1]  }
0x3: {  	s0 =	srdreg.scid;
	s11 =	stileid.u32  }
0x4: {  	s1 =	rddreg [dreg:$0x2];
	s2 =	simm.s32 $0x0;
	s10 =	simm.s32 $0x1900  }
0x5: {  	s13 =	simm.s32 $0x100;
	s5 =	sand.u32 $0x1, s0;
	s0 =	rddreg [dreg:$0x3]  }
0x6: {  	s14 =	simm.s32 $0x0;
	s6 =	sshll.u32 s11, $0x1;
	[smem:$0x7FF] =	sst s2  }
0x7: {  	s31 =	sshll.u32 s11, $0x9;
	p1 =	sne.s32 s11, $0x0;
	s11 =	simm.s32 $0x3900  }
0x8: {  	s12 =	sor.u32 s5, s6;
	_ =	strace $0x80000047;
	s7 =	sshll.u32 s5, $0x4  }
0x9: {  	s5 =	ssub.s32 $0x2, s5;
	s6 =	smul.u32 $0x188, s12;
	s7 =	sadd.s32 s7, s3  }
.Ltmp0:
0xa: {  	s30 =	sshrl.u32 s5, $0x1;
	p0 =	seq.s32 s12, $0x1F;
	(pc) =	sbr.rel .LBB2_1-.Ltmp0, $4  }
0xb: {  	p2 =	sne.s32 s12, $0x1F;
	s12 =	simm.s32 $0x80;
	s9 =	ssub.s32 s5, s30  }
0xc: {  	s5 =	simm.s32 $0x2B;
	s7 =	sadd.s32 $0x3E00, s7;
	s8 =	sadd.s32 s6, s3  }
0xd: {  	v1 =	vlaneseq.u32;
	s4 =	sadd.s32 s4, s6;
	s5 =	simm.s32 @!p0 $0x31;
	s6 =	sadd.s32 s31, s1  }
0xe: {  	v0 =	vimm.f32 $0.0e+00;
	v1 =	vmul.u32 $0x200, v1;
	s3 =	sadd.s32 $0xC00, s8;
	s8 =	smax.u32 s9, $0x1;
	s9 =	simm.s32 $0x1  }
.LBB2_10:
0xf: {  	v17 =	vld [tilespmem:s18+$0x5900];
	_ =	sdelay $0x1  }
0x10: {  	v2 =	vadd.f32 v2, v3;
	v3 =	vadd.f32 v5, v4  }
0x11: {  	v56 =	vadd.f32 v7, v6;
	v57 =	vadd.f32 v9, v8  }
0x12: {  	v58 =	vadd.f32 v11, v10;
	v59 =	vadd.f32 v13, v12  }
0x13: {  	v60 =	vadd.f32 v15, v14;
	v61 =	vadd.f32 v17, v16  }
0x14: {  	v2 =	vadd.f32 v3, v2;
	v3 =	vadd.f32 v57, v56  }
0x15: {  	v62 =	vadd.f32 v59, v58;
	v63 =	vadd.f32 v61, v60;
	_ =	sdelay $0x1  }
0x16: {  	v2 =	vadd.f32 v3, v2;
	v3 =	vadd.f32 v63, v62;
	_ =	sdelay $0x1  }
0x17: {  	v2 =	vadd.f32 v3, v2  }
0x18: {  	s15 =	sadd.s32 $0x10, s15  }
0x19: {  	[tilespmem:s15+$0x0] =	vst v2  }
0x1a: {  	[hbm4b:s7+s12] =	stream.strided.scatter [tilespmem:s11], [sflag:$0x1], $0x200, s13, s12, $0x38;
	[tilespmem:$0x5D00] =	vst v63  }
0x1b: {  	_ =	swait.ge [sflag:s9], $0x200  }
0x1c: {  	[sflag:s9] =	ssyncset.done $0x0  }
0x1d: {  	[sflag:s9] =	ssyncadd.s32 $0xFFFFFE00  }
.LBB2_11:
0x1e: {  	s14 =	sadd.s32 $0x1, s14  }
0x1f: {  	p3 =	sne.s32 s14, s8  }
.Ltmp1:
0x20: {  	_ = 	snop;
	(pc) =	sbr.rel @!p3 .LBB2_12-.Ltmp1, $1  }
0x21: {  	_ =	sdelay $0x3  }
.LBB2_1:
0x22: {  	[tilespmem:s2], [sflag:$0x1] =	stream.linear.gather [hbm4b:s3+s2], $0xC40, $0x38;
	[tilespmem:$0x5D00] =	vst v63  }
0x23: {  	_ =	swait.ge [sflag:s9], $0xC40  }
0x24: {  	[sflag:s9] =	ssyncset.done $0x0  }
0x25: {  	s15 =	simm.s32 @p0 $0x0;
	s16 =	simm.s32 @p0 $0xC80;
	[sflag:s9] =	ssyncadd.s32 $0xFFFFF3C0  }
0x26: {  	[tilespmem:s16], [sflag:$0x1] =	stream.linear.gather @p0 [hbm4b:s4+s15], $0xAE0, $0x38;
	[tilespmem:$0x5D00] =	vst v63  }
0x27: {  	s15 =	simm.s32 @p0 $0x1  }
0x28: {  	_ =	swait.ge @p0 [sflag:s15], $0xAE0  }
0x29: {  	[sflag:s15] =	ssyncset.done @p0 $0x0  }
0x2a: {  	s16 =	simm.s32 @!p0 $0xC80;
	[sflag:s15] =	ssyncadd.s32 @p0 $0xFFFFF520;
	s15 =	simm.s32 @!p0 $0x0  }
0x2b: {  	[tilespmem:s16], [sflag:$0x1] =	stream.linear.gather @!p0 [hbm4b:s4+s15], $0xC40, $0x38;
	[tilespmem:$0x5D00] =	vst v63  }
0x2c: {  	s15 =	simm.s32 @!p0 $0x1  }
0x2d: {  	_ =	swait.ge @!p0 [sflag:s15], $0xC40  }
0x2e: {  	[sflag:s15] =	ssyncset.done @!p0 $0x0  }
0x2f: {  	s16 =	simm.s32 $0x400;
	[sflag:s15] =	ssyncadd.s32 @!p0 $0xFFFFF3C0;
	s15 =	simm.s32 $0x0  }
.LBB2_2:
0x30: {  	p3 =	sne.s32 s16, $0x7C00;
	[tilespmem:s15+$0x19F0] =	vst v0  }
0x31: {  	[tilespmem:s15+$0x1900] =	vst v0  }
0x32: {  	[tilespmem:s15+$0x1910] =	vst v0  }
0x33: {  	[tilespmem:s15+$0x1920] =	vst v0  }
0x34: {  	[tilespmem:s15+$0x1930] =	vst v0  }
0x35: {  	[tilespmem:s15+$0x1940] =	vst v0  }
0x36: {  	[tilespmem:s15+$0x1950] =	vst v0  }
0x37: {  	[tilespmem:s15+$0x1960] =	vst v0  }
0x38: {  	[tilespmem:s15+$0x1970] =	vst v0  }
0x39: {  	[tilespmem:s15+$0x1980] =	vst v0  }
0x3a: {  	[tilespmem:s15+$0x1990] =	vst v0  }
.Ltmp2:
0x3b: {  	[tilespmem:s15+$0x19A0] =	vst v0;
	(pc) =	sbr.rel @p3 .LBB2_2-.Ltmp2, $4  }
0x3c: {  	[tilespmem:s15+$0x19B0] =	vst v0  }
0x3d: {  	[tilespmem:s15+$0x19C0] =	vst v0  }
0x3e: {  	[tilespmem:s15+$0x19D0] =	vst v0  }
0x3f: {  	[tilespmem:s15+$0x19E0] =	vst v0;
	s15 =	sshra.s32 s16, $0x2;
	s16 =	sadd.s32 $0x400, s16  }
0x40: {  	[tilespmem:s15+$0x19F0] =	vst v0  }
0x41: {  	[tilespmem:s15+$0x1900] =	vst v0  }
0x42: {  	[tilespmem:s15+$0x1910] =	vst v0  }
0x43: {  	[tilespmem:s15+$0x1920] =	vst v0  }
0x44: {  	[tilespmem:s15+$0x1930] =	vst v0  }
0x45: {  	[tilespmem:s15+$0x1940] =	vst v0  }
0x46: {  	[tilespmem:s15+$0x1950] =	vst v0  }
0x47: {  	[tilespmem:s15+$0x1960] =	vst v0  }
0x48: {  	[tilespmem:s15+$0x1970] =	vst v0  }
0x49: {  	[tilespmem:s15+$0x1980] =	vst v0  }
0x4a: {  	[tilespmem:s15+$0x1990] =	vst v0  }
0x4b: {  	[tilespmem:s15+$0x19A0] =	vst v0  }
0x4c: {  	[tilespmem:s15+$0x19B0] =	vst v0  }
0x4d: {  	[tilespmem:s15+$0x19C0] =	vst v0  }
0x4e: {  	[tilespmem:s15+$0x19D0] =	vst v0  }
0x4f: {  	[tilespmem:s15+$0x19E0] =	vst v0;
	s15 =	simm.s32 $0xCA0;
	s16 =	simm.s32 $0x20;
	s17 =	smov.u32 s5  }
.LBB2_4:
0x50: {  	v2 =	vld [tilespmem:s15+$0xFFFFFFE0];
	_ =	sdelay $0x4  }
0x51: {  	v3 =	vld [tilespmem:s16+$0xFFFFFFE0];
	v2 =	vadd.s32 v1, v2;
	_ =	sdelay $0x4  }
0x52: {  	[tilespmem:v2+s10+$0x0] =	vst.idx.add.f32.msk $0xffff, v3  }
0x53: {  	v2 =	vld [tilespmem:s15+$0xFFFFFFF0];
	_ =	sdelay $0x4  }
0x54: {  	v3 =	vld [tilespmem:s16+$0xFFFFFFF0];
	v2 =	vadd.s32 v1, v2;
	_ =	sdelay $0x4  }
0x55: {  	[tilespmem:v2+s10+$0x0] =	vst.idx.add.f32.msk $0xffff, v3  }
0x56: {  	v2 =	vld [tilespmem:s15+$0x0];
	_ =	sdelay $0x4  }
0x57: {  	v3 =	vld [tilespmem:s16+$0x0];
	v2 =	vadd.s32 v1, v2;
	_ =	sdelay $0x4  }
0x58: {  	[tilespmem:v2+s10+$0x0] =	vst.idx.add.f32.msk $0xffff, v3  }
0x59: {  	v2 =	vld [tilespmem:s15+$0x10];
	_ =	sdelay $0x4  }
0x5a: {  	p3 =	sne.s32 s17, $0x1;
	v3 =	vld [tilespmem:s16+$0x10];
	v2 =	vadd.s32 v1, v2  }
.Ltmp3:
0x5b: {  	_ = 	snop;
	(pc) =	sbr.rel @p3 .LBB2_4-.Ltmp3, $2  }
0x5c: {  	_ =	sdelay $0x2  }
0x5d: {  	s17 =	sadd.s32 $0xFFFFFFFF, s17;
	s15 =	sadd.s32 $0x40, s15;
	s16 =	sadd.s32 $0x40, s16;
	[tilespmem:v2+s10+$0x0] =	vst.idx.add.f32.msk $0xffff, v3  }
0x5e: {  	v2 =	vld @!p2 [tilespmem:$0x1740];
	_ =	sdelay $0x1  }
0x5f: {  	v3 =	vlaneseq.u32 @!p2  }
0x60: {  	v3 =	vmul.u32 @!p2 $0x200, v3;
	_ =	sdelay $0x1  }
0x61: {  	v4 =	vld @!p2 [tilespmem:$0xAC0];
	v2 =	vadd.s32 @!p2 v3, v2;
	_ =	sdelay $0x3  }
0x62: {  	s15 =	simm.s32 @!p2 $0x1900  }
0x63: {  	[tilespmem:v2+s15+$0x0] =	vst.idx.add.f32.msk @!p2 $0xffff, v4  }
0x64: {  	v2 =	vld @!p2 [tilespmem:$0x1750];
	_ =	sdelay $0x4  }
0x65: {  	v4 =	vld @!p2 [tilespmem:$0xAD0];
	v2 =	vadd.s32 @!p2 v3, v2;
	_ =	sdelay $0x3  }
0x66: {  	s16 =	simm.s32 $0x0  }
0x67: {  	s29 =	sand.u32 $0x1F0, s16;
	[tilespmem:v2+s15+$0x0] =	vst.idx.add.f32.msk @!p2 $0xffff, v4  }
0x68: {  	s30 =	simm.s32 $0x1900;
	v2 =	vld [tilespmem:s29+$0x1B00]  }
0x69: {  	v3 =	vld [tilespmem:s30+$0x0]  }
0x6a: {  	v4 =	vld [tilespmem:s29+$0x1D00]  }
0x6b: {  	v5 =	vld [tilespmem:s29+$0x1F00]  }
0x6c: {  	v6 =	vld [tilespmem:s29+$0x2100]  }
0x6d: {  	v7 =	vld [tilespmem:s29+$0x2300]  }
0x6e: {  	v8 =	vld [tilespmem:s29+$0x2500]  }
0x6f: {  	v9 =	vld [tilespmem:s29+$0x2700]  }
0x70: {  	v10 =	vld [tilespmem:s29+$0x2900]  }
0x71: {  	v11 =	vld [tilespmem:s29+$0x2B00]  }
0x72: {  	v12 =	vld [tilespmem:s29+$0x2D00]  }
0x73: {  	v13 =	vld [tilespmem:s29+$0x2F00]  }
0x74: {  	v14 =	vld [tilespmem:s29+$0x3100]  }
0x75: {  	v15 =	vld [tilespmem:s29+$0x3300]  }
0x76: {  	v16 =	vld [tilespmem:s29+$0x3500]  }
0x77: {  	v17 =	vld [tilespmem:s29+$0x3700];
	_ =	sdelay $0x1  }
0x78: {  	v2 =	vadd.f32 v2, v3;
	v3 =	vadd.f32 v5, v4  }
0x79: {  	v4 =	vadd.f32 v7, v6;
	v5 =	vadd.f32 v9, v8  }
0x7a: {  	v6 =	vadd.f32 v11, v10;
	v7 =	vadd.f32 v13, v12  }
0x7b: {  	v8 =	vadd.f32 v15, v14;
	v9 =	vadd.f32 v17, v16  }
0x7c: {  	v2 =	vadd.f32 v3, v2;
	v3 =	vadd.f32 v5, v4  }
0x7d: {  	v4 =	vadd.f32 v7, v6;
	v5 =	vadd.f32 v9, v8;
	_ =	sdelay $0x1  }
0x7e: {  	v2 =	vadd.f32 v3, v2;
	v3 =	vadd.f32 v5, v4;
	_ =	sdelay $0x1  }
0x7f: {  	v2 =	vadd.f32 v3, v2  }
0x80: {  	s31 =	simm.s32 $0x10;
	s15 =	simm.s32 $0x3900  }
0x81: {  	s18 =	sand.u32 $0x1F0, s31;
	[tilespmem:s15+$0x0] =	vst v2  }
0x82: {  	s16 =	simm.s32 $0x1910;
	v2 =	vld [tilespmem:s18+$0x1B00]  }
0x83: {  	v3 =	vld [tilespmem:s16+$0x0]  }
0x84: {  	v4 =	vld [tilespmem:s18+$0x1D00]  }
0x85: {  	v5 =	vld [tilespmem:s18+$0x1F00]  }
0x86: {  	v6 =	vld [tilespmem:s18+$0x2100]  }
0x87: {  	v7 =	vld [tilespmem:s18+$0x2300]  }
0x88: {  	v8 =	vld [tilespmem:s18+$0x2500]  }
0x89: {  	v9 =	vld [tilespmem:s18+$0x2700]  }
0x8a: {  	v10 =	vld [tilespmem:s18+$0x2900]  }
0x8b: {  	v11 =	vld [tilespmem:s18+$0x2B00]  }
0x8c: {  	v12 =	vld [tilespmem:s18+$0x2D00]  }
0x8d: {  	v13 =	vld [tilespmem:s18+$0x2F00]  }
0x8e: {  	v14 =	vld [tilespmem:s18+$0x3100]  }
0x8f: {  	v15 =	vld [tilespmem:s18+$0x3300]  }
0x90: {  	s17 =	simm.s32 $0x20;
	v16 =	vld [tilespmem:s18+$0x3500]  }
.LBB2_6:
0x91: {  	p3 =	sne.s32 s17, $0x1F0;
	v17 =	vld [tilespmem:s18+$0x3700];
	_ =	sdelay $0x1  }
0x92: {  	v2 =	vadd.f32 v2, v3;
	v3 =	vadd.f32 v5, v4  }
0x93: {  	v4 =	vadd.f32 v7, v6;
	v5 =	vadd.f32 v9, v8  }
0x94: {  	v6 =	vadd.f32 v11, v10;
	v7 =	vadd.f32 v13, v12  }
0x95: {  	v8 =	vadd.f32 v15, v14;
	v9 =	vadd.f32 v17, v16  }
0x96: {  	v2 =	vadd.f32 v3, v2;
	v3 =	vadd.f32 v5, v4  }
0x97: {  	v4 =	vadd.f32 v7, v6;
	v5 =	vadd.f32 v9, v8;
	_ =	sdelay $0x1  }
0x98: {  	v2 =	vadd.f32 v3, v2;
	v3 =	vadd.f32 v5, v4;
	_ =	sdelay $0x1  }
0x99: {  	v2 =	vadd.f32 v3, v2  }
0x9a: {  	s15 =	sadd.s32 $0x10, s15  }
0x9b: {  	s18 =	sand.u32 $0x1F0, s17;
	[tilespmem:s15+$0x0] =	vst v2  }
0x9c: {  	s16 =	sadd.s32 $0x10, s16;
	v2 =	vld [tilespmem:s18+$0x1B00]  }
0x9d: {  	v3 =	vld [tilespmem:s16+$0x0]  }
0x9e: {  	v4 =	vld [tilespmem:s18+$0x1D00]  }
0x9f: {  	v5 =	vld [tilespmem:s18+$0x1F00]  }
0xa0: {  	v6 =	vld [tilespmem:s18+$0x2100]  }
0xa1: {  	v7 =	vld [tilespmem:s18+$0x2300]  }
0xa2: {  	v8 =	vld [tilespmem:s18+$0x2500]  }
0xa3: {  	v9 =	vld [tilespmem:s18+$0x2700]  }
0xa4: {  	v10 =	vld [tilespmem:s18+$0x2900]  }
0xa5: {  	v11 =	vld [tilespmem:s18+$0x2B00]  }
.Ltmp4:
0xa6: {  	v12 =	vld [tilespmem:s18+$0x2D00];
	(pc) =	sbr.rel @p3 .LBB2_6-.Ltmp4, $4  }
0xa7: {  	v13 =	vld [tilespmem:s18+$0x2F00]  }
0xa8: {  	v14 =	vld [tilespmem:s18+$0x3100]  }
0xa9: {  	v15 =	vld [tilespmem:s18+$0x3300]  }
0xaa: {  	s17 =	sadd.s32 $0x10, s17;
	v16 =	vld [tilespmem:s18+$0x3500]  }
0xab: {  	v17 =	vld [tilespmem:s18+$0x3700];
	_ =	sdelay $0x1  }
0xac: {  	v2 =	vadd.f32 v2, v3;
	v3 =	vadd.f32 v5, v4  }
0xad: {  	v56 =	vadd.f32 v7, v6;
	v57 =	vadd.f32 v9, v8  }
0xae: {  	v58 =	vadd.f32 v11, v10;
	v59 =	vadd.f32 v13, v12  }
0xaf: {  	v60 =	vadd.f32 v15, v14;
	v61 =	vadd.f32 v17, v16  }
0xb0: {  	v2 =	vadd.f32 v3, v2;
	v3 =	vadd.f32 v57, v56  }
0xb1: {  	v62 =	vadd.f32 v59, v58;
	v63 =	vadd.f32 v61, v60;
	_ =	sdelay $0x1  }
0xb2: {  	v2 =	vadd.f32 v3, v2;
	v3 =	vadd.f32 v63, v62;
	_ =	sdelay $0x1  }
0xb3: {  	v2 =	vadd.f32 v3, v2  }
0xb4: {  	s15 =	sadd.s32 $0x10, s15  }
0xb5: {  	[tilespmem:s15+$0x0] =	vst v2  }
0xb6: {  	[spmem:s6] =	stream.linear.scatter [tilespmem:s11], [sflag:$0x1], $0x200, $0x38;
	[tilespmem:$0x5D00] =	vst v63  }
.Ltmp5:
0xb7: {  	_ =	swait.ge [sflag:s9], $0x200;
	(pc) =	sbr.rel @p1 .LBB2_11-.Ltmp5, $3  }
0xb8: {  	[sflag:s9] =	ssyncset.done $0x0  }
0xb9: {  	[sflag:s9] =	ssyncadd.s32 $0xFFFFFE00  }
0xba: {  	[bflag:$0x0] =	sbarrier.arrive $0xFFFF;
	_ =	sdelay $0x1  }
0xbb: {  	s15 =	simm.s32 $0x3B00  }
0xbc: {  	[tilespmem:s15], [sflag:$0x1] =	stream.linear.gather [spmem:s1], $0x2000, $0x38;
	[tilespmem:$0x5D00] =	vst v63  }
0xbd: {  	_ =	swait.ge [sflag:s9], $0x2000  }
0xbe: {  	s16 =	simm.s32 $0x0;
	[sflag:s9] =	ssyncset.done $0x0  }
0xbf: {  	s16 =	sand.u32 $0x1F0, s16;
	[sflag:s9] =	ssyncadd.s32 $0xFFFFE000  }
0xc0: {  	v2 =	vld [tilespmem:s16+$0x3D00]  }
0xc1: {  	v3 =	vld [tilespmem:s15+$0x0]  }
0xc2: {  	v4 =	vld [tilespmem:s16+$0x3F00]  }
0xc3: {  	v5 =	vld [tilespmem:s16+$0x4100]  }
0xc4: {  	v6 =	vld [tilespmem:s16+$0x4300]  }
0xc5: {  	v7 =	vld [tilespmem:s16+$0x4500]  }
0xc6: {  	v8 =	vld [tilespmem:s16+$0x4700]  }
0xc7: {  	v9 =	vld [tilespmem:s16+$0x4900]  }
0xc8: {  	v10 =	vld [tilespmem:s16+$0x4B00]  }
0xc9: {  	v11 =	vld [tilespmem:s16+$0x4D00]  }
0xca: {  	v12 =	vld [tilespmem:s16+$0x4F00]  }
0xcb: {  	v13 =	vld [tilespmem:s16+$0x5100]  }
0xcc: {  	v14 =	vld [tilespmem:s16+$0x5300]  }
0xcd: {  	v15 =	vld [tilespmem:s16+$0x5500]  }
0xce: {  	v16 =	vld [tilespmem:s16+$0x5700]  }
0xcf: {  	v17 =	vld [tilespmem:s16+$0x5900];
	_ =	sdelay $0x1  }
0xd0: {  	v2 =	vadd.f32 v2, v3;
	v3 =	vadd.f32 v5, v4  }
0xd1: {  	v4 =	vadd.f32 v7, v6;
	v5 =	vadd.f32 v9, v8  }
0xd2: {  	v6 =	vadd.f32 v11, v10;
	v7 =	vadd.f32 v13, v12  }
0xd3: {  	v8 =	vadd.f32 v15, v14;
	v9 =	vadd.f32 v17, v16  }
0xd4: {  	v2 =	vadd.f32 v3, v2;
	v3 =	vadd.f32 v5, v4  }
0xd5: {  	v4 =	vadd.f32 v7, v6;
	v5 =	vadd.f32 v9, v8;
	_ =	sdelay $0x1  }
0xd6: {  	v2 =	vadd.f32 v3, v2;
	v3 =	vadd.f32 v5, v4;
	_ =	sdelay $0x1  }
0xd7: {  	v2 =	vadd.f32 v3, v2  }
0xd8: {  	s31 =	simm.s32 $0x10;
	s15 =	simm.s32 $0x3900  }
0xd9: {  	s18 =	sand.u32 $0x1F0, s31;
	[tilespmem:s15+$0x0] =	vst v2  }
0xda: {  	s16 =	simm.s32 $0x3B10;
	v2 =	vld [tilespmem:s18+$0x3D00]  }
0xdb: {  	v3 =	vld [tilespmem:s16+$0x0]  }
0xdc: {  	v4 =	vld [tilespmem:s18+$0x3F00]  }
0xdd: {  	v5 =	vld [tilespmem:s18+$0x4100]  }
0xde: {  	v6 =	vld [tilespmem:s18+$0x4300]  }
0xdf: {  	v7 =	vld [tilespmem:s18+$0x4500]  }
0xe0: {  	v8 =	vld [tilespmem:s18+$0x4700]  }
0xe1: {  	v9 =	vld [tilespmem:s18+$0x4900]  }
0xe2: {  	v10 =	vld [tilespmem:s18+$0x4B00]  }
0xe3: {  	v11 =	vld [tilespmem:s18+$0x4D00]  }
0xe4: {  	v12 =	vld [tilespmem:s18+$0x4F00]  }
0xe5: {  	v13 =	vld [tilespmem:s18+$0x5100]  }
0xe6: {  	v14 =	vld [tilespmem:s18+$0x5300]  }
0xe7: {  	v15 =	vld [tilespmem:s18+$0x5500]  }
0xe8: {  	s17 =	simm.s32 $0x20;
	v16 =	vld [tilespmem:s18+$0x5700]  }
.LBB2_9:
0xe9: {  	p3 =	sne.s32 s17, $0x1F0;
	v17 =	vld [tilespmem:s18+$0x5900];
	_ =	sdelay $0x1  }
0xea: {  	v2 =	vadd.f32 v2, v3;
	v3 =	vadd.f32 v5, v4  }
0xeb: {  	v4 =	vadd.f32 v7, v6;
	v5 =	vadd.f32 v9, v8  }
0xec: {  	v6 =	vadd.f32 v11, v10;
	v7 =	vadd.f32 v13, v12  }
0xed: {  	v8 =	vadd.f32 v15, v14;
	v9 =	vadd.f32 v17, v16  }
0xee: {  	v2 =	vadd.f32 v3, v2;
	v3 =	vadd.f32 v5, v4  }
0xef: {  	v4 =	vadd.f32 v7, v6;
	v5 =	vadd.f32 v9, v8;
	_ =	sdelay $0x1  }
0xf0: {  	v2 =	vadd.f32 v3, v2;
	v3 =	vadd.f32 v5, v4;
	_ =	sdelay $0x1  }
0xf1: {  	v2 =	vadd.f32 v3, v2  }
0xf2: {  	s15 =	sadd.s32 $0x10, s15  }
0xf3: {  	s18 =	sand.u32 $0x1F0, s17;
	[tilespmem:s15+$0x0] =	vst v2  }
0xf4: {  	s16 =	sadd.s32 $0x10, s16;
	v2 =	vld [tilespmem:s18+$0x3D00]  }
0xf5: {  	v3 =	vld [tilespmem:s16+$0x0]  }
0xf6: {  	v4 =	vld [tilespmem:s18+$0x3F00]  }
0xf7: {  	v5 =	vld [tilespmem:s18+$0x4100]  }
0xf8: {  	v6 =	vld [tilespmem:s18+$0x4300]  }
0xf9: {  	v7 =	vld [tilespmem:s18+$0x4500]  }
0xfa: {  	v8 =	vld [tilespmem:s18+$0x4700]  }
0xfb: {  	v9 =	vld [tilespmem:s18+$0x4900]  }
0xfc: {  	v10 =	vld [tilespmem:s18+$0x4B00]  }
0xfd: {  	v11 =	vld [tilespmem:s18+$0x4D00]  }
.Ltmp6:
0xfe: {  	v12 =	vld [tilespmem:s18+$0x4F00];
	(pc) =	sbr.rel @p3 .LBB2_9-.Ltmp6, $4  }
0xff: {  	v13 =	vld [tilespmem:s18+$0x5100]  }
0x100: {  	v14 =	vld [tilespmem:s18+$0x5300]  }
0x101: {  	v15 =	vld [tilespmem:s18+$0x5500]  }
0x102: {  	s17 =	sadd.s32 $0x10, s17;
	v16 =	vld [tilespmem:s18+$0x5700]  }
.Ltmp7:
0x103: {  	_ = 	snop;
	(pc) =	sbr.rel .LBB2_10-.Ltmp7, $1  }
0x104: {  	_ =	sdelay $0x3  }
.LBB2_12:
0x105: {  	_ =	sfence.sel $0x180000  }
0x106: {  	[bflag:$0x0] =	sbarrier.arrive $0xFFFF  }
0x107: {  	_ =	strace $0x90000047  }
0x108: {  	s0 =	sadd.s32 @!p1 $0x100000, s0;
	[bflag:$0x2] =	sbarrier.arrive $0xFFFF  }
0x109: {  	[sflag:s0] =	ssyncadd.tile.s32 @!p1 $0x1;
	_ =	shalt  }
.Lfunc_end2:
_tile_overlayer_lowered:
.L_overlay_start_2:
0x10a: {  	(tag) =	ssettag $0x2  }
0x10b: {  	s0 =	rddreg [dreg:$0x0];
	s2 =	stileid.u32  }
0x10c: {  	s1 =	rddreg [dreg:$0x1];
	p0 =	sne.s32 s2, $0x0  }
0x10d: {  	s3 =	rddreg [dreg:$0x2];
	[bflag:$0x3] =	sbarrier.arrive $0xFFFF;
	s2 =	simm.s32 @!p0 $0x1C01  }
0x10e: {  	[timem:s3], [sflag:s2] =	dma.local @!p0 [hbm:s0], s1  }
0x10f: {  	s0 =	simm.s32 @!p0 $0x1  }
0x110: {  	_ =	swait.ge @!p0 [sflag:s0], s1  }
0x111: {  	s1 =	ssub.s32 @!p0 $0x0, s1;
	[sflag:s0] =	ssyncset.done @!p0 $0x0  }
0x112: {  	[sflag:s0] =	ssyncadd.s32 @!p0 s1  }
0x113: {  	[bflag:$0x3] =	sbarrier.arrive $0xFFFF  }
0x114: {  	_ =	shalt  }

</sc_bundles>
